<compile_context>
chip_gen: v7x
topology: tpu7x:2x2x1
jax: 0.10.2.dev20260603
libtpu: 0.0.44.dev20260713+nightly
codegen_flags: <defaults>
</compile_context>

<pallas_src>
import functools

import jax
import jax.numpy as jnp
from jax import lax
from jax.experimental import pallas as pl
from jax.experimental.pallas import tpu as pltpu
from jax.experimental.pallas import tpu_sc as plsc

B = 16
L = 512
E = 128
H = 128
G3 = 3 * H
NTOK = B * L
LABELS = 104


def _gather_rows(table, idx2d):
    info = plsc.get_sparse_core_info()
    nc, ns = info.num_cores, info.num_subcores
    nw = nc * ns
    per_w = NTOK // nw
    ch = 128
    n_ch = per_w // ch
    mesh = plsc.VectorSubcoreMesh(core_axis_name="c", subcore_axis_name="s")

    @functools.partial(
        pl.kernel,
        mesh=mesh,
        out_type=jax.ShapeDtypeStruct((NTOK, E), jnp.float32),
        scratch_types=[
            pltpu.VMEM((n_ch, ch), jnp.int32),
            pltpu.VMEM((per_w, E), jnp.float32),
            pltpu.SemaphoreType.DMA,
        ],
    )
    def gather_k(table_hbm, idx_hbm, out_hbm, idx_v, rows_v, sem):
        wid = lax.axis_index("s") * nc + lax.axis_index("c")
        pltpu.sync_copy(idx_hbm.at[pl.ds(wid * n_ch, n_ch)], idx_v)
        descs = [
            pltpu.async_copy(table_hbm.at[idx_v.at[j]],
                             rows_v.at[pl.ds(j * ch, ch)], sem)
            for j in range(n_ch)
        ]
        for d in descs:
            d.wait()
        pltpu.sync_copy(rows_v, out_hbm.at[pl.ds(wid * per_w, per_w)])

    return gather_k(table, idx2d)


def _tc_body(emb, lens_r, Wc, bc, Wihf, Whhf, bihf, bhhf,
             Wihb, Whhb, bihb, bhhb, Wl, bl, y, gi_scr):
    f32 = jnp.float32
    bf = jnp.bfloat16
    WihfT = Wihf[...].T
    WihbT = Wihb[...].T

    def permc(x):
        return jnp.concatenate(
            [x[:, 0:H], x[:, 2 * H:3 * H], x[:, H:2 * H]], axis=1)

    gsc = jnp.concatenate(
        [jnp.full((1, H), 0.5, f32), jnp.ones((1, H), f32),
         jnp.full((1, H), 0.5, f32)], axis=1)
    gsc2 = jnp.concatenate([gsc, gsc], axis=1)
    A = jnp.concatenate(
        [permc(jnp.dot(Wc[...], WihfT, preferred_element_type=f32)),
         permc(jnp.dot(Wc[...], WihbT, preferred_element_type=f32))],
        axis=1) * gsc2
    A_bf = A.astype(bf)
    def fold_rz(bhh):
        p = permc(bhh) * 0.5
        return jnp.concatenate(
            [p[:, 0:H], jnp.zeros((1, H), f32), p[:, 2 * H:3 * H]], axis=1)

    cvec = (jnp.concatenate(
        [permc(jnp.dot(bc[...], WihfT, preferred_element_type=f32)
               + bihf[...]),
         permc(jnp.dot(bc[...], WihbT, preferred_element_type=f32)
               + bihb[...])],
        axis=1) * gsc2
        + jnp.concatenate([fold_rz(bhhf[...]), fold_rz(bhhb[...])], axis=1))
    chunk = 1024
    for i in range(NTOK // chunk):
        gi_scr[pl.ds(i * chunk, chunk), :] = (
            jnp.dot(emb[pl.ds(i * chunk, chunk), :].astype(bf), A_bf,
                    preferred_element_type=f32) + cvec)

    WhhfT = permc(Whhf[...].T * 0.5).astype(bf)
    WhhbT = permc(Whhb[...].T * 0.5).astype(bf)
    bhnf = permc(bhhf[...])[:, H:2 * H] * 0.5
    bhnb = permc(bhhb[...])[:, H:2 * H] * 0.5
    lens_b = jnp.broadcast_to(lens_r[...], (B, H))
    neg = jnp.float32(-1e9)

    def gru(gi, gh, bhn, h):
        r1 = jnp.tanh(gi[:, 0:H] + gh[:, 0:H])
        zt = jnp.tanh(gi[:, 2 * H:3 * H] + gh[:, 2 * H:3 * H])
        n = jnp.tanh(gi[:, H:2 * H] + (r1 + 1.0) * (gh[:, H:2 * H] + bhn))
        c1 = 0.5 - 0.5 * zt
        c2 = 0.5 + 0.5 * zt
        return c1 * n + c2 * h

    UNROLL = 8
    M = jnp.max(lens_r[...])
    K = (M + (UNROLL - 1)) // UNROLL
    Mp = K * UNROLL

    def substep(t, carry):
        hf, hb, mf, mb = carry
        tb = (Mp - 1) - t
        gif = gi_scr[pl.ds(t * B, B), 0:G3]
        gib = gi_scr[pl.ds(tb * B, B), G3:2 * G3]
        ghf = jnp.dot(hf.astype(bf), WhhfT, preferred_element_type=f32)
        ghb = jnp.dot(hb.astype(bf), WhhbT, preferred_element_type=f32)
        hf2 = gru(gif, ghf, bhnf, hf)
        hb_new = gru(gib, ghb, bhnb, hb)
        vf = t < lens_b
        vb = tb < lens_b
        hb2 = jnp.where(vb, hb_new, hb)
        mf2 = jnp.maximum(mf, jnp.where(vf, hf2, neg))
        mb2 = jnp.maximum(mb, jnp.where(vb, hb2, neg))
        return hf2, hb2, mf2, mb2

    def step(i, carry):
        t0 = i * UNROLL
        for u in range(UNROLL):
            carry = substep(t0 + u, carry)
        return carry

    z0 = jnp.zeros((B, H), f32)
    m0 = jnp.full((B, H), neg, f32)
    _, _, mf, mb = lax.fori_loop(0, K, step, (z0, z0, m0, m0))
    pooled = jnp.concatenate([mf, mb], axis=1)
    y[...] = jnp.dot(pooled, Wl[...], preferred_element_type=f32) + bl[...]


def _tc_call(emb, lens_r, Wc, bc, Wihf, Whhf, bihf, bhhf,
             Wihb, Whhb, bihb, bhhb, Wl, bl, interpret=False):
    return pl.pallas_call(
        _tc_body,
        out_shape=jax.ShapeDtypeStruct((B, LABELS), jnp.float32),
        scratch_shapes=[pltpu.VMEM((NTOK, 2 * G3), jnp.float32)],
        interpret=interpret,
    )(emb, lens_r, Wc, bc, Wihf, Whhf, bihf, bhhf,
      Wihb, Whhb, bihb, bhhb, Wl, bl)


def kernel(tokens, lens, embedding, W_c, b_c, W_ih_f, W_hh_f, b_ih_f,
           b_hh_f, W_ih_b, W_hh_b, b_ih_b, b_hh_b, W_label, b_label):
    idx2d = jnp.transpose(tokens).astype(jnp.int32).reshape(NTOK // 128, 128)
    emb = _gather_rows(embedding, idx2d)
    lens_r = lens.astype(jnp.int32).reshape(B, 1)
    return _tc_call(
        emb, lens_r, W_c, b_c.reshape(1, E),
        W_ih_f, W_hh_f, b_ih_f.reshape(1, G3), b_hh_f.reshape(1, G3),
        W_ih_b, W_hh_b, b_ih_b.reshape(1, G3), b_hh_b.reshape(1, G3),
        W_label, b_label.reshape(1, LABELS))

# --- scband reference (transcript-rebuilt; emitter-appended) ---
"""Pipeline reference for scband-batch-program-classifier-74414603371109 (READ-ONLY COPY).

The authoritative reference and input builder live on the scoring server;
editing this copy changes nothing except your own understanding.
"""

import jax, jax.numpy as jnp
import numpy as np

VOCAB = 100000
EMBED_DIM = 128
ENCODE_DIM = 128
HIDDEN_DIM = 128
LABEL_SIZE = 104
BATCH = 16
MAX_LEN = 512


def setup_inputs(seed: int = 0):
    key = jax.random.key(seed)
    ks = jax.random.split(key, 16)
    s_h = 1.0 / np.sqrt(HIDDEN_DIM)

    def unif(k, shape, s):
        return jax.random.uniform(k, shape, minval=-s, maxval=s, dtype=jnp.float32)

    inp = {}
    inp['tokens'] = jax.random.randint(ks[0], (BATCH, MAX_LEN), 0, VOCAB)
    inp['lens'] = jax.random.randint(ks[1], (BATCH,), 1, MAX_LEN + 1)
    inp['embedding'] = jax.random.normal(ks[2], (VOCAB, EMBED_DIM), dtype=jnp.float32) * 0.02
    s_c = 1.0 / np.sqrt(EMBED_DIM)
    inp['W_c'] = unif(ks[3], (EMBED_DIM, ENCODE_DIM), s_c)
    inp['b_c'] = jnp.zeros((ENCODE_DIM,), jnp.float32)
    inp['W_ih_f'] = unif(ks[4], (3 * HIDDEN_DIM, ENCODE_DIM), s_h)
    inp['W_hh_f'] = unif(ks[5], (3 * HIDDEN_DIM, HIDDEN_DIM), s_h)
    inp['b_ih_f'] = unif(ks[6], (3 * HIDDEN_DIM,), s_h)
    inp['b_hh_f'] = unif(ks[7], (3 * HIDDEN_DIM,), s_h)
    inp['W_ih_b'] = unif(ks[8], (3 * HIDDEN_DIM, ENCODE_DIM), s_h)
    inp['W_hh_b'] = unif(ks[9], (3 * HIDDEN_DIM, HIDDEN_DIM), s_h)
    inp['b_ih_b'] = unif(ks[10], (3 * HIDDEN_DIM,), s_h)
    inp['b_hh_b'] = unif(ks[11], (3 * HIDDEN_DIM,), s_h)
    s_l = 1.0 / np.sqrt(2 * HIDDEN_DIM)
    inp['W_label'] = unif(ks[12], (2 * HIDDEN_DIM, LABEL_SIZE), s_l)
    inp['b_label'] = jnp.zeros((LABEL_SIZE,), jnp.float32)
    return inp


def _gru_direction(x, lens, W_ih, W_hh, b_ih, b_hh, reverse):
    B, L, _ = x.shape
    H = W_hh.shape[1]
    h0 = jnp.zeros((B, H), x.dtype)
    ts = jnp.arange(L)
    if reverse:
        ts = ts[::-1]

    def step(h, t):
        xt = x[:, t, :]
        gi = xt @ W_ih.T + b_ih
        gh = h @ W_hh.T + b_hh
        i_r, i_z, i_n = jnp.split(gi, 3, axis=-1)
        h_r, h_z, h_n = jnp.split(gh, 3, axis=-1)
        r = jax.nn.sigmoid(i_r + h_r)
        z = jax.nn.sigmoid(i_z + h_z)
        n = jnp.tanh(i_n + r * h_n)
        h_new = (1.0 - z) * n + z * h
        valid = (t < lens)[:, None]
        h_next = jnp.where(valid, h_new, h)
        return h_next, h_next

    _, hs = jax.lax.scan(step, h0, ts)
    hs = jnp.transpose(hs, (1, 0, 2))
    if reverse:
        hs = hs[:, ::-1, :]
    return hs


def _forward(tokens, lens, embedding, W_c, b_c, W_ih_f, W_hh_f, b_ih_f, b_hh_f, W_ih_b, W_hh_b, b_ih_b, b_hh_b, W_label, b_label):
    B, L = tokens.shape
    # BatchTreeEncoder (depth-1 statement trees): gather embeddings, W_c projection
    emb = jnp.take(embedding, tokens, axis=0)  # [B, L, E] gather
    enc = emb @ W_c + b_c  # [B, L, encode_dim]
    # scatter valid statement encodings into padded buffer (get_zeros padding)
    mask = jnp.arange(L)[None, :] < lens[:, None]
    enc = jnp.where(mask[:, :, None], enc, 0.0)
    # packed bidirectional GRU
    out_f = _gru_direction(enc, lens, W_ih_f, W_hh_f, b_ih_f, b_hh_f, False)
    out_b = _gru_direction(enc, lens, W_ih_b, W_hh_b, b_ih_b, b_hh_b, True)
    gru_out = jnp.concatenate([out_f, out_b], axis=-1)
    # pad_packed with padding_value=-1e9, then max_pool1d over time
    gru_out = jnp.where(mask[:, :, None], gru_out, -1.0e9)
    pooled = jnp.max(gru_out, axis=1)  # [B, 2H]
    y = pooled @ W_label + b_label  # hidden2label
    return y


def reference(tokens, lens, embedding, W_c, b_c, W_ih_f, W_hh_f, b_ih_f, b_hh_f, W_ih_b, W_hh_b, b_ih_b, b_hh_b, W_label, b_label):
    return _forward(tokens, lens, embedding, W_c, b_c, W_ih_f, W_hh_f, b_ih_f, b_hh_f, W_ih_b, W_hh_b, b_ih_b, b_hh_b, W_label, b_label)

if __name__ == "__main__":
    import jax
    _d = setup_inputs()
    print(jax.jit(kernel)(*tuple(_d.values())))

</pallas_src>

<mosaic_0001>
#map = affine_map<(d0, d1) -> (0, 0)>
module attributes {stable_mosaic.version = 14 : i64} {
  func.func @gather_k(%arg0: i32, %arg1: i32, %arg2: memref<100000x128xf32, #tpu.memory_space<hbm>>, %arg3: memref<64x128xi32, #tpu.memory_space<hbm>>, %arg4: memref<8192x128xf32, #tpu.memory_space<hbm>>, %arg5: memref<2x128xi32, #tpu.memory_space<vmem>>, %arg6: memref<256x128xf32, #tpu.memory_space<vmem>>, %arg7: memref<!tpu.dma_semaphore, #tpu.memory_space<semaphore_mem>>) attributes {dimension_semantics = [#tpu.dimension_semantics<core_parallel>, #tpu.dimension_semantics<subcore_parallel>], iteration_bounds = array<i64: 2, 16>, scalar_prefetch = 0 : i64, scratch_operands = 3 : i64, tpu.core_type = #tpu.core_type<sc_vector_subcore>, window_params = [{transform_indices = #map}, {transform_indices = #map}, {transform_indices = #map}]} {
    %mul3A = arith.constant 2 : i32
    %mul3A_0 = arith.muli %arg1, %mul3A : i32
    %add3A = arith.addi %mul3A_0, %arg0 : i32
    %mul3A_1 = arith.constant 2 : i32
    %mul3A_2 = arith.muli %add3A, %mul3A_1 : i32
    "tpu.region"() ({
      %run_scoped3A = tpu.sem_alloc : memref<!tpu.dma_semaphore, #tpu.memory_space<semaphore_mem>>
      %dma_start3A_43 = arith.constant 0 : i32
      %dma_start3A_44 = tpu.memref_slice %arg3[%mul3A_2, %dma_start3A_43] : memref<64x128xi32, #tpu.memory_space<hbm>> -> memref<2x128xi32, #tpu.memory_space<hbm>>
      %dma_start3A_45 = arith.constant 0 : i32
      %dma_start3A_46 = tpu.memref_slice %arg3[%mul3A_2, %dma_start3A_45] : memref<64x128xi32, #tpu.memory_space<hbm>> -> memref<2x128xi32, #tpu.memory_space<hbm>>
      tpu.enqueue_dma source(%dma_start3A_46 : memref<2x128xi32, #tpu.memory_space<hbm>>) target(%arg5 : memref<2x128xi32, #tpu.memory_space<vmem>>) target_semaphore(%run_scoped3A : memref<!tpu.dma_semaphore, #tpu.memory_space<semaphore_mem>>)
      %dma_wait3A_47 = arith.constant 0 : i32
      %dma_wait3A_48 = tpu.memref_slice %arg3[%mul3A_2, %dma_wait3A_47] : memref<64x128xi32, #tpu.memory_space<hbm>> -> memref<2x128xi32, #tpu.memory_space<hbm>>
      %dma_wait3A_49 = arith.constant 0 : i32
      %dma_wait3A_50 = tpu.memref_slice %arg3[%mul3A_2, %dma_wait3A_49] : memref<64x128xi32, #tpu.memory_space<hbm>> -> memref<2x128xi32, #tpu.memory_space<hbm>>
      tpu.wait_dma2 semaphore(%run_scoped3A : memref<!tpu.dma_semaphore, #tpu.memory_space<semaphore_mem>>) src(%dma_wait3A_50 : memref<2x128xi32, #tpu.memory_space<hbm>>) dst(%arg5 : memref<2x128xi32, #tpu.memory_space<vmem>>)
      tpu.yield
    }) : () -> ()
    %dma_start3A = arith.constant 0 : i32
    %dma_start3A_3 = arith.constant 0 : i32
    %dma_start3A_4 = arith.constant 0 : i32
    %dma_start3A_5 = tpu.memref_slice %arg6[%dma_start3A_3, %dma_start3A_4] : memref<256x128xf32, #tpu.memory_space<vmem>> -> memref<128x128xf32, #tpu.memory_space<vmem>>
    %dma_start3A_6 = arith.constant 0 : i32
    %dma_start3A_7 = tpu.memref_slice %arg5[%dma_start3A, %dma_start3A_6] : memref<2x128xi32, #tpu.memory_space<vmem>> -> memref<1x128xi32, #tpu.memory_space<vmem>>
    %dma_start3A_8 = tpu.memref_squeeze %dma_start3A_7 : memref<1x128xi32, #tpu.memory_space<vmem>> -> memref<128xi32, #tpu.memory_space<vmem>>
    %dma_start3A_9 = arith.constant 0 : i32
    %dma_start3A_10 = arith.constant 0 : i32
    %dma_start3A_11 = tpu.memref_slice %arg2[%dma_start3A_9, %dma_start3A_10] : memref<100000x128xf32, #tpu.memory_space<hbm>> -> memref<100000x128xf32, #tpu.memory_space<hbm>>
    tpu.enqueue_indirect_dma source(%dma_start3A_11 : memref<100000x128xf32, #tpu.memory_space<hbm>>) target(%dma_start3A_5 : memref<128x128xf32, #tpu.memory_space<vmem>>) offsets(%dma_start3A_8 : memref<128xi32, #tpu.memory_space<vmem>>) semaphore(%arg7 : memref<!tpu.dma_semaphore, #tpu.memory_space<semaphore_mem>>)
    %dma_start3A_12 = arith.constant 1 : i32
    %dma_start3A_13 = arith.constant 128 : i32
    %dma_start3A_14 = arith.constant 0 : i32
    %dma_start3A_15 = tpu.memref_slice %arg6[%dma_start3A_13, %dma_start3A_14] : memref<256x128xf32, #tpu.memory_space<vmem>> -> memref<128x128xf32, #tpu.memory_space<vmem>>
    %dma_start3A_16 = arith.constant 0 : i32
    %dma_start3A_17 = tpu.memref_slice %arg5[%dma_start3A_12, %dma_start3A_16] : memref<2x128xi32, #tpu.memory_space<vmem>> -> memref<1x128xi32, #tpu.memory_space<vmem>>
    %dma_start3A_18 = tpu.memref_squeeze %dma_start3A_17 : memref<1x128xi32, #tpu.memory_space<vmem>> -> memref<128xi32, #tpu.memory_space<vmem>>
    %dma_start3A_19 = arith.constant 0 : i32
    %dma_start3A_20 = arith.constant 0 : i32
    %dma_start3A_21 = tpu.memref_slice %arg2[%dma_start3A_19, %dma_start3A_20] : memref<100000x128xf32, #tpu.memory_space<hbm>> -> memref<100000x128xf32, #tpu.memory_space<hbm>>
    tpu.enqueue_indirect_dma source(%dma_start3A_21 : memref<100000x128xf32, #tpu.memory_space<hbm>>) target(%dma_start3A_15 : memref<128x128xf32, #tpu.memory_space<vmem>>) offsets(%dma_start3A_18 : memref<128xi32, #tpu.memory_space<vmem>>) semaphore(%arg7 : memref<!tpu.dma_semaphore, #tpu.memory_space<semaphore_mem>>)
    %dma_wait3A = arith.constant 0 : i32
    %dma_wait3A_22 = arith.constant 0 : i32
    %dma_wait3A_23 = arith.constant 0 : i32
    %dma_wait3A_24 = tpu.memref_slice %arg6[%dma_wait3A_22, %dma_wait3A_23] : memref<256x128xf32, #tpu.memory_space<vmem>> -> memref<128x128xf32, #tpu.memory_space<vmem>>
    %dma_wait3A_25 = arith.constant 0 : i32
    %dma_wait3A_26 = tpu.memref_slice %arg5[%dma_wait3A, %dma_wait3A_25] : memref<2x128xi32, #tpu.memory_space<vmem>> -> memref<1x128xi32, #tpu.memory_space<vmem>>
    %dma_wait3A_27 = tpu.memref_squeeze %dma_wait3A_26 : memref<1x128xi32, #tpu.memory_space<vmem>> -> memref<128xi32, #tpu.memory_space<vmem>>
    %dma_wait3A_28 = arith.constant 0 : i32
    %dma_wait3A_29 = arith.constant 0 : i32
    %dma_wait3A_30 = tpu.memref_slice %arg2[%dma_wait3A_28, %dma_wait3A_29] : memref<100000x128xf32, #tpu.memory_space<hbm>> -> memref<100000x128xf32, #tpu.memory_space<hbm>>
    tpu.wait_indirect_dma semaphore(%arg7 : memref<!tpu.dma_semaphore, #tpu.memory_space<semaphore_mem>>) src(%dma_wait3A_30 : memref<100000x128xf32, #tpu.memory_space<hbm>>) dst(%dma_wait3A_24 : memref<128x128xf32, #tpu.memory_space<vmem>>)
    %dma_wait3A_31 = arith.constant 1 : i32
    %dma_wait3A_32 = arith.constant 128 : i32
    %dma_wait3A_33 = arith.constant 0 : i32
    %dma_wait3A_34 = tpu.memref_slice %arg6[%dma_wait3A_32, %dma_wait3A_33] : memref<256x128xf32, #tpu.memory_space<vmem>> -> memref<128x128xf32, #tpu.memory_space<vmem>>
    %dma_wait3A_35 = arith.constant 0 : i32
    %dma_wait3A_36 = tpu.memref_slice %arg5[%dma_wait3A_31, %dma_wait3A_35] : memref<2x128xi32, #tpu.memory_space<vmem>> -> memref<1x128xi32, #tpu.memory_space<vmem>>
    %dma_wait3A_37 = tpu.memref_squeeze %dma_wait3A_36 : memref<1x128xi32, #tpu.memory_space<vmem>> -> memref<128xi32, #tpu.memory_space<vmem>>
    %dma_wait3A_38 = arith.constant 0 : i32
    %dma_wait3A_39 = arith.constant 0 : i32
    %dma_wait3A_40 = tpu.memref_slice %arg2[%dma_wait3A_38, %dma_wait3A_39] : memref<100000x128xf32, #tpu.memory_space<hbm>> -> memref<100000x128xf32, #tpu.memory_space<hbm>>
    tpu.wait_indirect_dma semaphore(%arg7 : memref<!tpu.dma_semaphore, #tpu.memory_space<semaphore_mem>>) src(%dma_wait3A_40 : memref<100000x128xf32, #tpu.memory_space<hbm>>) dst(%dma_wait3A_34 : memref<128x128xf32, #tpu.memory_space<vmem>>)
    %mul3A_41 = arith.constant 256 : i32
    %mul3A_42 = arith.muli %add3A, %mul3A_41 : i32
    "tpu.region"() ({
      %run_scoped3A = tpu.sem_alloc : memref<!tpu.dma_semaphore, #tpu.memory_space<semaphore_mem>>
      %dma_start3A_43 = arith.constant 0 : i32
      %dma_start3A_44 = tpu.memref_slice %arg4[%mul3A_42, %dma_start3A_43] : memref<8192x128xf32, #tpu.memory_space<hbm>> -> memref<256x128xf32, #tpu.memory_space<hbm>>
      %dma_start3A_45 = arith.constant 0 : i32
      %dma_start3A_46 = tpu.memref_slice %arg4[%mul3A_42, %dma_start3A_45] : memref<8192x128xf32, #tpu.memory_space<hbm>> -> memref<256x128xf32, #tpu.memory_space<hbm>>
      tpu.enqueue_dma source(%arg6 : memref<256x128xf32, #tpu.memory_space<vmem>>) target(%dma_start3A_46 : memref<256x128xf32, #tpu.memory_space<hbm>>) target_semaphore(%run_scoped3A : memref<!tpu.dma_semaphore, #tpu.memory_space<semaphore_mem>>)
      %dma_wait3A_47 = arith.constant 0 : i32
      %dma_wait3A_48 = tpu.memref_slice %arg4[%mul3A_42, %dma_wait3A_47] : memref<8192x128xf32, #tpu.memory_space<hbm>> -> memref<256x128xf32, #tpu.memory_space<hbm>>
      %dma_wait3A_49 = arith.constant 0 : i32
      %dma_wait3A_50 = tpu.memref_slice %arg4[%mul3A_42, %dma_wait3A_49] : memref<8192x128xf32, #tpu.memory_space<hbm>> -> memref<256x128xf32, #tpu.memory_space<hbm>>
      tpu.wait_dma2 semaphore(%run_scoped3A : memref<!tpu.dma_semaphore, #tpu.memory_space<semaphore_mem>>) src(%arg6 : memref<256x128xf32, #tpu.memory_space<vmem>>) dst(%dma_wait3A_50 : memref<256x128xf32, #tpu.memory_space<hbm>>)
      tpu.yield
    }) : () -> ()
    return
  }
}

module attributes {stable_mosaic.version = 14 : i64} {
  func.func @_tc_body(%arg0: memref<8192x128xf32, #tpu.memory_space<vmem>>, %arg1: memref<16x1xi32, #tpu.memory_space<vmem>>, %arg2: memref<128x128xf32, #tpu.memory_space<vmem>>, %arg3: memref<1x128xf32, #tpu.memory_space<vmem>>, %arg4: memref<384x128xf32, #tpu.memory_space<vmem>>, %arg5: memref<384x128xf32, #tpu.memory_space<vmem>>, %arg6: memref<1x384xf32, #tpu.memory_space<vmem>>, %arg7: memref<1x384xf32, #tpu.memory_space<vmem>>, %arg8: memref<384x128xf32, #tpu.memory_space<vmem>>, %arg9: memref<384x128xf32, #tpu.memory_space<vmem>>, %arg10: memref<1x384xf32, #tpu.memory_space<vmem>>, %arg11: memref<1x384xf32, #tpu.memory_space<vmem>>, %arg12: memref<256x104xf32, #tpu.memory_space<vmem>>, %arg13: memref<1x104xf32, #tpu.memory_space<vmem>>, %arg14: memref<16x104xf32, #tpu.memory_space<vmem>>, %arg15: memref<8192x768xf32, #tpu.memory_space<vmem>>) attributes {dimension_semantics = [], scalar_prefetch = 0 : i64, scratch_operands = 1 : i64, tpu.core_type = #tpu.core_type<tc>} {
    %get3A = arith.constant 0 : index
    %get3A_0 = arith.constant 0 : index
    %get3A_1 = vector.load %arg4[%get3A, %get3A_0] : memref<384x128xf32, #tpu.memory_space<vmem>>, vector<384x128xf32>
    %transpose3A = tpu.transpose %get3A_1, [1, 0] : vector<384x128xf32> -> vector<128x384xf32>
    %get3A_2 = arith.constant 0 : index
    %get3A_3 = arith.constant 0 : index
    %get3A_4 = vector.load %arg8[%get3A_2, %get3A_3] : memref<384x128xf32, #tpu.memory_space<vmem>>, vector<384x128xf32>
    %transpose3A_5 = tpu.transpose %get3A_4, [1, 0] : vector<384x128xf32> -> vector<128x384xf32>
    %broadcast_in_dim3A = arith.constant 5.000000e-01 : f32
    %broadcast_in_dim3A_6 = vector.broadcast %broadcast_in_dim3A : f32 to vector<1x128xf32>
    %broadcast_in_dim3A_7 = arith.constant 1.000000e+00 : f32
    %broadcast_in_dim3A_8 = vector.broadcast %broadcast_in_dim3A_7 : f32 to vector<1x128xf32>
    %broadcast_in_dim3A_9 = arith.constant 5.000000e-01 : f32
    %broadcast_in_dim3A_10 = vector.broadcast %broadcast_in_dim3A_9 : f32 to vector<1x128xf32>
    %concatenate3A = tpu.concatenate %broadcast_in_dim3A_6, %broadcast_in_dim3A_8, %broadcast_in_dim3A_10 in 1 : vector<1x128xf32>, vector<1x128xf32>, vector<1x128xf32> -> vector<1x384xf32>
    %concatenate3A_11 = tpu.concatenate %concatenate3A, %concatenate3A in 1 : vector<1x384xf32>, vector<1x384xf32> -> vector<1x768xf32>
    %get3A_12 = arith.constant 0 : index
    %get3A_13 = arith.constant 0 : index
    %get3A_14 = vector.load %arg2[%get3A_12, %get3A_13] : memref<128x128xf32, #tpu.memory_space<vmem>>, vector<128x128xf32>
    %dot_general3A = arith.constant dense<0.000000e+00> : vector<128x384xf32>
    %dot_general3A_15 = tpu.matmul %get3A_14, %transpose3A, %dot_general3A {dimension_numbers = #tpu.dot_dimension_numbers<[1], [0], [0], [1], [0, 0, 1, 1], [], []>, transpose_lhs_hint = false} : vector<128x128xf32>, vector<128x384xf32>, vector<128x384xf32> -> vector<128x384xf32>
    %slice3A = vector.extract_strided_slice %dot_general3A_15 {offsets = [0, 0], sizes = [128, 128], strides = [1, 1]} : vector<128x384xf32> to vector<128x128xf32>
    %slice3A_16 = vector.extract_strided_slice %dot_general3A_15 {offsets = [0, 256], sizes = [128, 128], strides = [1, 1]} : vector<128x384xf32> to vector<128x128xf32>
    %slice3A_17 = vector.extract_strided_slice %dot_general3A_15 {offsets = [0, 128], sizes = [128, 128], strides = [1, 1]} : vector<128x384xf32> to vector<128x128xf32>
    %concatenate3A_18 = tpu.concatenate %slice3A, %slice3A_16, %slice3A_17 in 1 : vector<128x128xf32>, vector<128x128xf32>, vector<128x128xf32> -> vector<128x384xf32>
    %get3A_19 = arith.constant 0 : index
    %get3A_20 = arith.constant 0 : index
    %get3A_21 = vector.load %arg2[%get3A_19, %get3A_20] : memref<128x128xf32, #tpu.memory_space<vmem>>, vector<128x128xf32>
    %dot_general3A_22 = arith.constant dense<0.000000e+00> : vector<128x384xf32>
    %dot_general3A_23 = tpu.matmul %get3A_21, %transpose3A_5, %dot_general3A_22 {dimension_numbers = #tpu.dot_dimension_numbers<[1], [0], [0], [1], [0, 0, 1, 1], [], []>, transpose_lhs_hint = false} : vector<128x128xf32>, vector<128x384xf32>, vector<128x384xf32> -> vector<128x384xf32>
    %slice3A_24 = vector.extract_strided_slice %dot_general3A_23 {offsets = [0, 0], sizes = [128, 128], strides = [1, 1]} : vector<128x384xf32> to vector<128x128xf32>
    %slice3A_25 = vector.extract_strided_slice %dot_general3A_23 {offsets = [0, 256], sizes = [128, 128], strides = [1, 1]} : vector<128x384xf32> to vector<128x128xf32>
    %slice3A_26 = vector.extract_strided_slice %dot_general3A_23 {offsets = [0, 128], sizes = [128, 128], strides = [1, 1]} : vector<128x384xf32> to vector<128x128xf32>
    %concatenate3A_27 = tpu.concatenate %slice3A_24, %slice3A_25, %slice3A_26 in 1 : vector<128x128xf32>, vector<128x128xf32>, vector<128x128xf32> -> vector<128x384xf32>
    %concatenate3A_28 = tpu.concatenate %concatenate3A_18, %concatenate3A_27 in 1 : vector<128x384xf32>, vector<128x384xf32> -> vector<128x768xf32>
    %mul3A = vector.broadcast %concatenate3A_11 : vector<1x768xf32> to vector<128x768xf32>
    %mul3A_29 = arith.mulf %concatenate3A_28, %mul3A : vector<128x768xf32>
    %convert_element_type3A = arith.truncf %mul3A_29 : vector<128x768xf32> to vector<128x768xbf16>
    %get3A_30 = arith.constant 0 : index
    %get3A_31 = arith.constant 0 : index
    %get3A_32 = vector.load %arg3[%get3A_30, %get3A_31] : memref<1x128xf32, #tpu.memory_space<vmem>>, vector<1x128xf32>
    %dot_general3A_33 = arith.constant dense<0.000000e+00> : vector<1x384xf32>
    %dot_general3A_34 = tpu.matmul %get3A_32, %transpose3A, %dot_general3A_33 {dimension_numbers = #tpu.dot_dimension_numbers<[1], [0], [0], [1], [0, 0, 1, 1], [], []>, transpose_lhs_hint = false} : vector<1x128xf32>, vector<128x384xf32>, vector<1x384xf32> -> vector<1x384xf32>
    %get3A_35 = arith.constant 0 : index
    %get3A_36 = arith.constant 0 : index
    %get3A_37 = vector.load %arg6[%get3A_35, %get3A_36] : memref<1x384xf32, #tpu.memory_space<vmem>>, vector<1x384xf32>
    %add3A = arith.addf %dot_general3A_34, %get3A_37 : vector<1x384xf32>
    %slice3A_38 = vector.extract_strided_slice %add3A {offsets = [0, 0], sizes = [1, 128], strides = [1, 1]} : vector<1x384xf32> to vector<1x128xf32>
    %slice3A_39 = vector.extract_strided_slice %add3A {offsets = [0, 256], sizes = [1, 128], strides = [1, 1]} : vector<1x384xf32> to vector<1x128xf32>
    %slice3A_40 = vector.extract_strided_slice %add3A {offsets = [0, 128], sizes = [1, 128], strides = [1, 1]} : vector<1x384xf32> to vector<1x128xf32>
    %concatenate3A_41 = tpu.concatenate %slice3A_38, %slice3A_39, %slice3A_40 in 1 : vector<1x128xf32>, vector<1x128xf32>, vector<1x128xf32> -> vector<1x384xf32>
    %get3A_42 = arith.constant 0 : index
    %get3A_43 = arith.constant 0 : index
    %get3A_44 = vector.load %arg3[%get3A_42, %get3A_43] : memref<1x128xf32, #tpu.memory_space<vmem>>, vector<1x128xf32>
    %dot_general3A_45 = arith.constant dense<0.000000e+00> : vector<1x384xf32>
    %dot_general3A_46 = tpu.matmul %get3A_44, %transpose3A_5, %dot_general3A_45 {dimension_numbers = #tpu.dot_dimension_numbers<[1], [0], [0], [1], [0, 0, 1, 1], [], []>, transpose_lhs_hint = false} : vector<1x128xf32>, vector<128x384xf32>, vector<1x384xf32> -> vector<1x384xf32>
    %get3A_47 = arith.constant 0 : index
    %get3A_48 = arith.constant 0 : index
    %get3A_49 = vector.load %arg10[%get3A_47, %get3A_48] : memref<1x384xf32, #tpu.memory_space<vmem>>, vector<1x384xf32>
    %add3A_50 = arith.addf %dot_general3A_46, %get3A_49 : vector<1x384xf32>
    %slice3A_51 = vector.extract_strided_slice %add3A_50 {offsets = [0, 0], sizes = [1, 128], strides = [1, 1]} : vector<1x384xf32> to vector<1x128xf32>
    %slice3A_52 = vector.extract_strided_slice %add3A_50 {offsets = [0, 256], sizes = [1, 128], strides = [1, 1]} : vector<1x384xf32> to vector<1x128xf32>
    %slice3A_53 = vector.extract_strided_slice %add3A_50 {offsets = [0, 128], sizes = [1, 128], strides = [1, 1]} : vector<1x384xf32> to vector<1x128xf32>
    %concatenate3A_54 = tpu.concatenate %slice3A_51, %slice3A_52, %slice3A_53 in 1 : vector<1x128xf32>, vector<1x128xf32>, vector<1x128xf32> -> vector<1x384xf32>
    %concatenate3A_55 = tpu.concatenate %concatenate3A_41, %concatenate3A_54 in 1 : vector<1x384xf32>, vector<1x384xf32> -> vector<1x768xf32>
    %mul3A_56 = arith.mulf %concatenate3A_55, %concatenate3A_11 : vector<1x768xf32>
    %get3A_57 = arith.constant 0 : index
    %get3A_58 = arith.constant 0 : index
    %get3A_59 = vector.load %arg7[%get3A_57, %get3A_58] : memref<1x384xf32, #tpu.memory_space<vmem>>, vector<1x384xf32>
    %slice3A_60 = vector.extract_strided_slice %get3A_59 {offsets = [0, 0], sizes = [1, 128], strides = [1, 1]} : vector<1x384xf32> to vector<1x128xf32>
    %slice3A_61 = vector.extract_strided_slice %get3A_59 {offsets = [0, 256], sizes = [1, 128], strides = [1, 1]} : vector<1x384xf32> to vector<1x128xf32>
    %slice3A_62 = vector.extract_strided_slice %get3A_59 {offsets = [0, 128], sizes = [1, 128], strides = [1, 1]} : vector<1x384xf32> to vector<1x128xf32>
    %concatenate3A_63 = tpu.concatenate %slice3A_60, %slice3A_61, %slice3A_62 in 1 : vector<1x128xf32>, vector<1x128xf32>, vector<1x128xf32> -> vector<1x384xf32>
    %mul3A_64 = arith.constant 5.000000e-01 : f32
    %mul3A_65 = vector.broadcast %mul3A_64 : f32 to vector<1x384xf32>
    %mul3A_66 = arith.mulf %concatenate3A_63, %mul3A_65 : vector<1x384xf32>
    %slice3A_67 = vector.extract_strided_slice %mul3A_66 {offsets = [0, 0], sizes = [1, 128], strides = [1, 1]} : vector<1x384xf32> to vector<1x128xf32>
    %broadcast_in_dim3A_68 = arith.constant 0.000000e+00 : f32
    %broadcast_in_dim3A_69 = vector.broadcast %broadcast_in_dim3A_68 : f32 to vector<1x128xf32>
    %slice3A_70 = vector.extract_strided_slice %mul3A_66 {offsets = [0, 256], sizes = [1, 128], strides = [1, 1]} : vector<1x384xf32> to vector<1x128xf32>
    %concatenate3A_71 = tpu.concatenate %slice3A_67, %broadcast_in_dim3A_69, %slice3A_70 in 1 : vector<1x128xf32>, vector<1x128xf32>, vector<1x128xf32> -> vector<1x384xf32>
    %get3A_72 = arith.constant 0 : index
    %get3A_73 = arith.constant 0 : index
    %get3A_74 = vector.load %arg11[%get3A_72, %get3A_73] : memref<1x384xf32, #tpu.memory_space<vmem>>, vector<1x384xf32>
    %slice3A_75 = vector.extract_strided_slice %get3A_74 {offsets = [0, 0], sizes = [1, 128], strides = [1, 1]} : vector<1x384xf32> to vector<1x128xf32>
    %slice3A_76 = vector.extract_strided_slice %get3A_74 {offsets = [0, 256], sizes = [1, 128], strides = [1, 1]} : vector<1x384xf32> to vector<1x128xf32>
    %slice3A_77 = vector.extract_strided_slice %get3A_74 {offsets = [0, 128], sizes = [1, 128], strides = [1, 1]} : vector<1x384xf32> to vector<1x128xf32>
    %concatenate3A_78 = tpu.concatenate %slice3A_75, %slice3A_76, %slice3A_77 in 1 : vector<1x128xf32>, vector<1x128xf32>, vector<1x128xf32> -> vector<1x384xf32>
    %mul3A_79 = arith.constant 5.000000e-01 : f32
    %mul3A_80 = vector.broadcast %mul3A_79 : f32 to vector<1x384xf32>
    %mul3A_81 = arith.mulf %concatenate3A_78, %mul3A_80 : vector<1x384xf32>
    %slice3A_82 = vector.extract_strided_slice %mul3A_81 {offsets = [0, 0], sizes = [1, 128], strides = [1, 1]} : vector<1x384xf32> to vector<1x128xf32>
    %broadcast_in_dim3A_83 = arith.constant 0.000000e+00 : f32
    %broadcast_in_dim3A_84 = vector.broadcast %broadcast_in_dim3A_83 : f32 to vector<1x128xf32>
    %slice3A_85 = vector.extract_strided_slice %mul3A_81 {offsets = [0, 256], sizes = [1, 128], strides = [1, 1]} : vector<1x384xf32> to vector<1x128xf32>
    %concatenate3A_86 = tpu.concatenate %slice3A_82, %broadcast_in_dim3A_84, %slice3A_85 in 1 : vector<1x128xf32>, vector<1x128xf32>, vector<1x128xf32> -> vector<1x384xf32>
    %concatenate3A_87 = tpu.concatenate %concatenate3A_71, %concatenate3A_86 in 1 : vector<1x384xf32>, vector<1x384xf32> -> vector<1x768xf32>
    %add3A_88 = arith.addf %mul3A_56, %concatenate3A_87 : vector<1x768xf32>
    %get3A_89 = arith.constant 0 : index
    %get3A_90 = arith.constant 0 : index
    %get3A_91 = vector.load %arg0[%get3A_89, %get3A_90] : memref<8192x128xf32, #tpu.memory_space<vmem>>, vector<1024x128xf32>
    %convert_element_type3A_92 = arith.truncf %get3A_91 : vector<1024x128xf32> to vector<1024x128xbf16>
    %dot_general3A_93 = arith.constant dense<0.000000e+00> : vector<1024x768xf32>
    %dot_general3A_94 = tpu.matmul %convert_element_type3A_92, %convert_element_type3A, %dot_general3A_93 {dimension_numbers = #tpu.dot_dimension_numbers<[1], [0], [0], [1], [0, 0, 1, 1], [], []>, transpose_lhs_hint = false} : vector<1024x128xbf16>, vector<128x768xbf16>, vector<1024x768xf32> -> vector<1024x768xf32>
    %add3A_95 = vector.broadcast %add3A_88 : vector<1x768xf32> to vector<1024x768xf32>
    %add3A_96 = arith.addf %dot_general3A_94, %add3A_95 : vector<1024x768xf32>
    %swap3A = arith.constant 0 : index
    %swap3A_97 = arith.constant 0 : index
    %swap3A_98 = vector.load %arg15[%swap3A, %swap3A_97] : memref<8192x768xf32, #tpu.memory_space<vmem>>, vector<1024x768xf32>
    tpu.vector_store %arg15[%swap3A, %swap3A_97], %add3A_96 {strides = array<i32>} : memref<8192x768xf32, #tpu.memory_space<vmem>>, vector<1024x768xf32>,
    %get3A_99 = arith.constant 1024 : index
    %get3A_100 = arith.constant 0 : index
    %get3A_101 = vector.load %arg0[%get3A_99, %get3A_100] : memref<8192x128xf32, #tpu.memory_space<vmem>>, vector<1024x128xf32>
    %convert_element_type3A_102 = arith.truncf %get3A_101 : vector<1024x128xf32> to vector<1024x128xbf16>
    %dot_general3A_103 = arith.constant dense<0.000000e+00> : vector<1024x768xf32>
    %dot_general3A_104 = tpu.matmul %convert_element_type3A_102, %convert_element_type3A, %dot_general3A_103 {dimension_numbers = #tpu.dot_dimension_numbers<[1], [0], [0], [1], [0, 0, 1, 1], [], []>, transpose_lhs_hint = false} : vector<1024x128xbf16>, vector<128x768xbf16>, vector<1024x768xf32> -> vector<1024x768xf32>
    %add3A_105 = vector.broadcast %add3A_88 : vector<1x768xf32> to vector<1024x768xf32>
    %add3A_106 = arith.addf %dot_general3A_104, %add3A_105 : vector<1024x768xf32>
    %swap3A_107 = arith.constant 1024 : index
    %swap3A_108 = arith.constant 0 : index
    %swap3A_109 = vector.load %arg15[%swap3A_107, %swap3A_108] : memref<8192x768xf32, #tpu.memory_space<vmem>>, vector<1024x768xf32>
    tpu.vector_store %arg15[%swap3A_107, %swap3A_108], %add3A_106 {strides = array<i32>} : memref<8192x768xf32, #tpu.memory_space<vmem>>, vector<1024x768xf32>,
    %get3A_110 = arith.constant 2048 : index
    %get3A_111 = arith.constant 0 : index
    %get3A_112 = vector.load %arg0[%get3A_110, %get3A_111] : memref<8192x128xf32, #tpu.memory_space<vmem>>, vector<1024x128xf32>
    %convert_element_type3A_113 = arith.truncf %get3A_112 : vector<1024x128xf32> to vector<1024x128xbf16>
    %dot_general3A_114 = arith.constant dense<0.000000e+00> : vector<1024x768xf32>
    %dot_general3A_115 = tpu.matmul %convert_element_type3A_113, %convert_element_type3A, %dot_general3A_114 {dimension_numbers = #tpu.dot_dimension_numbers<[1], [0], [0], [1], [0, 0, 1, 1], [], []>, transpose_lhs_hint = false} : vector<1024x128xbf16>, vector<128x768xbf16>, vector<1024x768xf32> -> vector<1024x768xf32>
    %add3A_116 = vector.broadcast %add3A_88 : vector<1x768xf32> to vector<1024x768xf32>
    %add3A_117 = arith.addf %dot_general3A_115, %add3A_116 : vector<1024x768xf32>
    %swap3A_118 = arith.constant 2048 : index
    %swap3A_119 = arith.constant 0 : index
    %swap3A_120 = vector.load %arg15[%swap3A_118, %swap3A_119] : memref<8192x768xf32, #tpu.memory_space<vmem>>, vector<1024x768xf32>
    tpu.vector_store %arg15[%swap3A_118, %swap3A_119], %add3A_117 {strides = array<i32>} : memref<8192x768xf32, #tpu.memory_space<vmem>>, vector<1024x768xf32>,
    %get3A_121 = arith.constant 3072 : index
    %get3A_122 = arith.constant 0 : index
    %get3A_123 = vector.load %arg0[%get3A_121, %get3A_122] : memref<8192x128xf32, #tpu.memory_space<vmem>>, vector<1024x128xf32>
    %convert_element_type3A_124 = arith.truncf %get3A_123 : vector<1024x128xf32> to vector<1024x128xbf16>
    %dot_general3A_125 = arith.constant dense<0.000000e+00> : vector<1024x768xf32>
    %dot_general3A_126 = tpu.matmul %convert_element_type3A_124, %convert_element_type3A, %dot_general3A_125 {dimension_numbers = #tpu.dot_dimension_numbers<[1], [0], [0], [1], [0, 0, 1, 1], [], []>, transpose_lhs_hint = false} : vector<1024x128xbf16>, vector<128x768xbf16>, vector<1024x768xf32> -> vector<1024x768xf32>
    %add3A_127 = vector.broadcast %add3A_88 : vector<1x768xf32> to vector<1024x768xf32>
    %add3A_128 = arith.addf %dot_general3A_126, %add3A_127 : vector<1024x768xf32>
    %swap3A_129 = arith.constant 3072 : index
    %swap3A_130 = arith.constant 0 : index
    %swap3A_131 = vector.load %arg15[%swap3A_129, %swap3A_130] : memref<8192x768xf32, #tpu.memory_space<vmem>>, vector<1024x768xf32>
    tpu.vector_store %arg15[%swap3A_129, %swap3A_130], %add3A_128 {strides = array<i32>} : memref<8192x768xf32, #tpu.memory_space<vmem>>, vector<1024x768xf32>,
    %get3A_132 = arith.constant 4096 : index
    %get3A_133 = arith.constant 0 : index
    %get3A_134 = vector.load %arg0[%get3A_132, %get3A_133] : memref<8192x128xf32, #tpu.memory_space<vmem>>, vector<1024x128xf32>
    %convert_element_type3A_135 = arith.truncf %get3A_134 : vector<1024x128xf32> to vector<1024x128xbf16>
    %dot_general3A_136 = arith.constant dense<0.000000e+00> : vector<1024x768xf32>
    %dot_general3A_137 = tpu.matmul %convert_element_type3A_135, %convert_element_type3A, %dot_general3A_136 {dimension_numbers = #tpu.dot_dimension_numbers<[1], [0], [0], [1], [0, 0, 1, 1], [], []>, transpose_lhs_hint = false} : vector<1024x128xbf16>, vector<128x768xbf16>, vector<1024x768xf32> -> vector<1024x768xf32>
    %add3A_138 = vector.broadcast %add3A_88 : vector<1x768xf32> to vector<1024x768xf32>
    %add3A_139 = arith.addf %dot_general3A_137, %add3A_138 : vector<1024x768xf32>
    %swap3A_140 = arith.constant 4096 : index
    %swap3A_141 = arith.constant 0 : index
    %swap3A_142 = vector.load %arg15[%swap3A_140, %swap3A_141] : memref<8192x768xf32, #tpu.memory_space<vmem>>, vector<1024x768xf32>
    tpu.vector_store %arg15[%swap3A_140, %swap3A_141], %add3A_139 {strides = array<i32>} : memref<8192x768xf32, #tpu.memory_space<vmem>>, vector<1024x768xf32>,
    %get3A_143 = arith.constant 5120 : index
    %get3A_144 = arith.constant 0 : index
    %get3A_145 = vector.load %arg0[%get3A_143, %get3A_144] : memref<8192x128xf32, #tpu.memory_space<vmem>>, vector<1024x128xf32>
    %convert_element_type3A_146 = arith.truncf %get3A_145 : vector<1024x128xf32> to vector<1024x128xbf16>
    %dot_general3A_147 = arith.constant dense<0.000000e+00> : vector<1024x768xf32>
    %dot_general3A_148 = tpu.matmul %convert_element_type3A_146, %convert_element_type3A, %dot_general3A_147 {dimension_numbers = #tpu.dot_dimension_numbers<[1], [0], [0], [1], [0, 0, 1, 1], [], []>, transpose_lhs_hint = false} : vector<1024x128xbf16>, vector<128x768xbf16>, vector<1024x768xf32> -> vector<1024x768xf32>
    %add3A_149 = vector.broadcast %add3A_88 : vector<1x768xf32> to vector<1024x768xf32>
    %add3A_150 = arith.addf %dot_general3A_148, %add3A_149 : vector<1024x768xf32>
    %swap3A_151 = arith.constant 5120 : index
    %swap3A_152 = arith.constant 0 : index
    %swap3A_153 = vector.load %arg15[%swap3A_151, %swap3A_152] : memref<8192x768xf32, #tpu.memory_space<vmem>>, vector<1024x768xf32>
    tpu.vector_store %arg15[%swap3A_151, %swap3A_152], %add3A_150 {strides = array<i32>} : memref<8192x768xf32, #tpu.memory_space<vmem>>, vector<1024x768xf32>,
    %get3A_154 = arith.constant 6144 : index
    %get3A_155 = arith.constant 0 : index
    %get3A_156 = vector.load %arg0[%get3A_154, %get3A_155] : memref<8192x128xf32, #tpu.memory_space<vmem>>, vector<1024x128xf32>
    %convert_element_type3A_157 = arith.truncf %get3A_156 : vector<1024x128xf32> to vector<1024x128xbf16>
    %dot_general3A_158 = arith.constant dense<0.000000e+00> : vector<1024x768xf32>
    %dot_general3A_159 = tpu.matmul %convert_element_type3A_157, %convert_element_type3A, %dot_general3A_158 {dimension_numbers = #tpu.dot_dimension_numbers<[1], [0], [0], [1], [0, 0, 1, 1], [], []>, transpose_lhs_hint = false} : vector<1024x128xbf16>, vector<128x768xbf16>, vector<1024x768xf32> -> vector<1024x768xf32>
    %add3A_160 = vector.broadcast %add3A_88 : vector<1x768xf32> to vector<1024x768xf32>
    %add3A_161 = arith.addf %dot_general3A_159, %add3A_160 : vector<1024x768xf32>
    %swap3A_162 = arith.constant 6144 : index
    %swap3A_163 = arith.constant 0 : index
    %swap3A_164 = vector.load %arg15[%swap3A_162, %swap3A_163] : memref<8192x768xf32, #tpu.memory_space<vmem>>, vector<1024x768xf32>
    tpu.vector_store %arg15[%swap3A_162, %swap3A_163], %add3A_161 {strides = array<i32>} : memref<8192x768xf32, #tpu.memory_space<vmem>>, vector<1024x768xf32>,
    %get3A_165 = arith.constant 7168 : index
    %get3A_166 = arith.constant 0 : index
    %get3A_167 = vector.load %arg0[%get3A_165, %get3A_166] : memref<8192x128xf32, #tpu.memory_space<vmem>>, vector<1024x128xf32>
    %convert_element_type3A_168 = arith.truncf %get3A_167 : vector<1024x128xf32> to vector<1024x128xbf16>
    %dot_general3A_169 = arith.constant dense<0.000000e+00> : vector<1024x768xf32>
    %dot_general3A_170 = tpu.matmul %convert_element_type3A_168, %convert_element_type3A, %dot_general3A_169 {dimension_numbers = #tpu.dot_dimension_numbers<[1], [0], [0], [1], [0, 0, 1, 1], [], []>, transpose_lhs_hint = false} : vector<1024x128xbf16>, vector<128x768xbf16>, vector<1024x768xf32> -> vector<1024x768xf32>
    %add3A_171 = vector.broadcast %add3A_88 : vector<1x768xf32> to vector<1024x768xf32>
    %add3A_172 = arith.addf %dot_general3A_170, %add3A_171 : vector<1024x768xf32>
    %swap3A_173 = arith.constant 7168 : index
    %swap3A_174 = arith.constant 0 : index
    %swap3A_175 = vector.load %arg15[%swap3A_173, %swap3A_174] : memref<8192x768xf32, #tpu.memory_space<vmem>>, vector<1024x768xf32>
    tpu.vector_store %arg15[%swap3A_173, %swap3A_174], %add3A_172 {strides = array<i32>} : memref<8192x768xf32, #tpu.memory_space<vmem>>, vector<1024x768xf32>,
    %get3A_176 = arith.constant 0 : index
    %get3A_177 = arith.constant 0 : index
    %get3A_178 = vector.load %arg5[%get3A_176, %get3A_177] : memref<384x128xf32, #tpu.memory_space<vmem>>, vector<384x128xf32>
    %transpose3A_179 = tpu.transpose %get3A_178, [1, 0] : vector<384x128xf32> -> vector<128x384xf32>
    %mul3A_180 = arith.constant 5.000000e-01 : f32
    %mul3A_181 = vector.broadcast %mul3A_180 : f32 to vector<128x384xf32>
    %mul3A_182 = arith.mulf %transpose3A_179, %mul3A_181 : vector<128x384xf32>
    %slice3A_183 = vector.extract_strided_slice %mul3A_182 {offsets = [0, 0], sizes = [128, 128], strides = [1, 1]} : vector<128x384xf32> to vector<128x128xf32>
    %slice3A_184 = vector.extract_strided_slice %mul3A_182 {offsets = [0, 256], sizes = [128, 128], strides = [1, 1]} : vector<128x384xf32> to vector<128x128xf32>
    %slice3A_185 = vector.extract_strided_slice %mul3A_182 {offsets = [0, 128], sizes = [128, 128], strides = [1, 1]} : vector<128x384xf32> to vector<128x128xf32>
    %concatenate3A_186 = tpu.concatenate %slice3A_183, %slice3A_184, %slice3A_185 in 1 : vector<128x128xf32>, vector<128x128xf32>, vector<128x128xf32> -> vector<128x384xf32>
    %convert_element_type3A_187 = arith.truncf %concatenate3A_186 : vector<128x384xf32> to vector<128x384xbf16>
    %get3A_188 = arith.constant 0 : index
    %get3A_189 = arith.constant 0 : index
    %get3A_190 = vector.load %arg9[%get3A_188, %get3A_189] : memref<384x128xf32, #tpu.memory_space<vmem>>, vector<384x128xf32>
    %transpose3A_191 = tpu.transpose %get3A_190, [1, 0] : vector<384x128xf32> -> vector<128x384xf32>
    %mul3A_192 = arith.constant 5.000000e-01 : f32
    %mul3A_193 = vector.broadcast %mul3A_192 : f32 to vector<128x384xf32>
    %mul3A_194 = arith.mulf %transpose3A_191, %mul3A_193 : vector<128x384xf32>
    %slice3A_195 = vector.extract_strided_slice %mul3A_194 {offsets = [0, 0], sizes = [128, 128], strides = [1, 1]} : vector<128x384xf32> to vector<128x128xf32>
    %slice3A_196 = vector.extract_strided_slice %mul3A_194 {offsets = [0, 256], sizes = [128, 128], strides = [1, 1]} : vector<128x384xf32> to vector<128x128xf32>
    %slice3A_197 = vector.extract_strided_slice %mul3A_194 {offsets = [0, 128], sizes = [128, 128], strides = [1, 1]} : vector<128x384xf32> to vector<128x128xf32>
    %concatenate3A_198 = tpu.concatenate %slice3A_195, %slice3A_196, %slice3A_197 in 1 : vector<128x128xf32>, vector<128x128xf32>, vector<128x128xf32> -> vector<128x384xf32>
    %convert_element_type3A_199 = arith.truncf %concatenate3A_198 : vector<128x384xf32> to vector<128x384xbf16>
    %get3A_200 = arith.constant 0 : index
    %get3A_201 = arith.constant 0 : index
    %get3A_202 = vector.load %arg7[%get3A_200, %get3A_201] : memref<1x384xf32, #tpu.memory_space<vmem>>, vector<1x384xf32>
    %slice3A_203 = vector.extract_strided_slice %get3A_202 {offsets = [0, 0], sizes = [1, 128], strides = [1, 1]} : vector<1x384xf32> to vector<1x128xf32>
    %slice3A_204 = vector.extract_strided_slice %get3A_202 {offsets = [0, 256], sizes = [1, 128], strides = [1, 1]} : vector<1x384xf32> to vector<1x128xf32>
    %slice3A_205 = vector.extract_strided_slice %get3A_202 {offsets = [0, 128], sizes = [1, 128], strides = [1, 1]} : vector<1x384xf32> to vector<1x128xf32>
    %concatenate3A_206 = tpu.concatenate %slice3A_203, %slice3A_204, %slice3A_205 in 1 : vector<1x128xf32>, vector<1x128xf32>, vector<1x128xf32> -> vector<1x384xf32>
    %slice3A_207 = vector.extract_strided_slice %concatenate3A_206 {offsets = [0, 128], sizes = [1, 128], strides = [1, 1]} : vector<1x384xf32> to vector<1x128xf32>
    %mul3A_208 = arith.constant 5.000000e-01 : f32
    %mul3A_209 = vector.broadcast %mul3A_208 : f32 to vector<1x128xf32>
    %mul3A_210 = arith.mulf %slice3A_207, %mul3A_209 : vector<1x128xf32>
    %get3A_211 = arith.constant 0 : index
    %get3A_212 = arith.constant 0 : index
    %get3A_213 = vector.load %arg11[%get3A_211, %get3A_212] : memref<1x384xf32, #tpu.memory_space<vmem>>, vector<1x384xf32>
    %slice3A_214 = vector.extract_strided_slice %get3A_213 {offsets = [0, 0], sizes = [1, 128], strides = [1, 1]} : vector<1x384xf32> to vector<1x128xf32>
    %slice3A_215 = vector.extract_strided_slice %get3A_213 {offsets = [0, 256], sizes = [1, 128], strides = [1, 1]} : vector<1x384xf32> to vector<1x128xf32>
    %slice3A_216 = vector.extract_strided_slice %get3A_213 {offsets = [0, 128], sizes = [1, 128], strides = [1, 1]} : vector<1x384xf32> to vector<1x128xf32>
    %concatenate3A_217 = tpu.concatenate %slice3A_214, %slice3A_215, %slice3A_216 in 1 : vector<1x128xf32>, vector<1x128xf32>, vector<1x128xf32> -> vector<1x384xf32>
    %slice3A_218 = vector.extract_strided_slice %concatenate3A_217 {offsets = [0, 128], sizes = [1, 128], strides = [1, 1]} : vector<1x384xf32> to vector<1x128xf32>
    %mul3A_219 = arith.constant 5.000000e-01 : f32
    %mul3A_220 = vector.broadcast %mul3A_219 : f32 to vector<1x128xf32>
    %mul3A_221 = arith.mulf %slice3A_218, %mul3A_220 : vector<1x128xf32>
    %get3A_222 = arith.constant 0 : index
    %get3A_223 = arith.constant 0 : index
    %get3A_224 = vector.load %arg1[%get3A_222, %get3A_223] : memref<16x1xi32, #tpu.memory_space<vmem>>, vector<16x1xi32>
    %broadcast_in_dim3A_225 = vector.shape_cast %get3A_224 : vector<16x1xi32> to vector<16x1xi32>
    %broadcast_in_dim3A_226 = vector.broadcast %broadcast_in_dim3A_225 : vector<16x1xi32> to vector<16x128xi32>
    %get3A_227 = arith.constant 0 : index
    %get3A_228 = arith.constant 0 : index
    %get3A_229 = vector.load %arg1[%get3A_227, %get3A_228] : memref<16x1xi32, #tpu.memory_space<vmem>>, vector<16x1xi32>
    %reduce_max3A = vector.shape_cast %get3A_229 : vector<16x1xi32> to vector<1x16x1xi32>
    %reduce_max3A_230 = arith.constant dense<-2147483648> : vector<1xi32>
    %reduce_max3A_231 = vector.multi_reduction <maxsi>, %reduce_max3A, %reduce_max3A_230 [1, 2] : vector<1x16x1xi32> to vector<1xi32>
    %reduce_max3A_232 = vector.shape_cast %reduce_max3A_231 : vector<1xi32> to vector<1x1x1xi32>
    %reduce_max3A_233 = vector.extract %reduce_max3A_232[0, 0, 0] : i32 from vector<1x1x1xi32>
    %add3A_234 = arith.constant 7 : i32
    %add3A_235 = arith.addi %reduce_max3A_233, %add3A_234 : i32
    %jit3A = arith.constant 8 : i32
    %div3A = arith.divsi %add3A_235, %jit3A : i32
    %sign3A = arith.constant 0 : i32
    %sign3A_236 = arith.cmpi sgt, %add3A_235, %sign3A : i32
    %sign3A_237 = arith.extui %sign3A_236 : i1 to i32
    %sign3A_238 = arith.constant 0 : i32
    %sign3A_239 = arith.cmpi slt, %add3A_235, %sign3A_238 : i32
    %sign3A_240 = arith.extui %sign3A_239 : i1 to i32
    %sign3A_241 = arith.subi %sign3A_237, %sign3A_240 : i32
    %sign3A_242 = arith.constant 0 : i32
    %sign3A_243 = arith.cmpi sgt, %jit3A, %sign3A_242 : i32
    %sign3A_244 = arith.extui %sign3A_243 : i1 to i32
    %sign3A_245 = arith.constant 0 : i32
    %sign3A_246 = arith.cmpi slt, %jit3A, %sign3A_245 : i32
    %sign3A_247 = arith.extui %sign3A_246 : i1 to i32
    %sign3A_248 = arith.subi %sign3A_244, %sign3A_247 : i32
    %ne3A = arith.cmpi ne, %sign3A_241, %sign3A_248 : i32
    %rem3A = arith.remsi %add3A_235, %jit3A : i32
    %ne3A_249 = arith.constant 0 : i32
    %ne3A_250 = arith.cmpi ne, %rem3A, %ne3A_249 : i32
    %and3A = arith.andi %ne3A, %ne3A_250 : i1
    %sub3A = arith.constant 1 : i32
    %sub3A_251 = arith.subi %div3A, %sub3A : i32
    %select_n3A = arith.select %and3A, %sub3A_251, %div3A : i32
    %mul3A_252 = arith.constant 8 : i32
    %mul3A_253 = arith.muli %select_n3A, %mul3A_252 : i32
    %broadcast_in_dim3A_254 = arith.constant 0.000000e+00 : f32
    %broadcast_in_dim3A_255 = vector.broadcast %broadcast_in_dim3A_254 : f32 to vector<16x128xf32>
    %broadcast_in_dim3A_256 = arith.constant -1.000000e+09 : f32
    %broadcast_in_dim3A_257 = vector.broadcast %broadcast_in_dim3A_256 : f32 to vector<16x128xf32>
    %while3A = arith.constant -1.000000e+09 : f32
    %while3A_258 = arith.constant 0 : i32
    %while3A_259 = arith.subi %select_n3A, %while3A_258 : i32
    %while3A_260 = arith.addi %while3A_258, %while3A_259 : i32
    %while3A_261 = arith.constant 1 : i32
    %while3A_262 = arith.divsi %while3A_259, %while3A_261 : i32
    %while3A_263 = arith.muli %while3A_262, %while3A_261 : i32
    %while3A_264 = arith.addi %while3A_258, %while3A_263 : i32
    %while3A_265 = arith.constant 1 : i32
    %while3A_266:4 = scf.for %while3A_283 = %while3A_258 to %while3A_264 step %while3A_265 iter_args(%while3A_284 = %broadcast_in_dim3A_255, %while3A_285 = %broadcast_in_dim3A_255, %while3A_286 = %broadcast_in_dim3A_257, %while3A_287 = %broadcast_in_dim3A_257) -> (vector<16x128xf32>, vector<16x128xf32>, vector<16x128xf32>, vector<16x128xf32>)  : i32 {
      %mul3A_288 = arith.constant 8 : i32
      %mul3A_289 = arith.muli %while3A_283, %mul3A_288 : i32
      %add3A_290 = arith.constant 0 : i32
      %add3A_291 = arith.addi %mul3A_289, %add3A_290 : i32
      %sub3A_292 = arith.constant 1 : i32
      %sub3A_293 = arith.subi %mul3A_253, %sub3A_292 : i32
      %sub3A_294 = arith.subi %sub3A_293, %add3A_291 : i32
      %mul3A_295 = arith.constant 16 : i32
      %mul3A_296 = arith.muli %add3A_291, %mul3A_295 : i32
      %get3A_297 = arith.index_cast %mul3A_296 : i32 to index
      %get3A_298 = arith.constant 0 : index
      %get3A_299 = vector.load %arg15[%get3A_297, %get3A_298] : memref<8192x768xf32, #tpu.memory_space<vmem>>, vector<16x384xf32>
      %mul3A_300 = arith.constant 16 : i32
      %mul3A_301 = arith.muli %sub3A_294, %mul3A_300 : i32
      %get3A_302 = arith.index_cast %mul3A_301 : i32 to index
      %get3A_303 = arith.constant 384 : index
      %get3A_304 = vector.load %arg15[%get3A_302, %get3A_303] : memref<8192x768xf32, #tpu.memory_space<vmem>>, vector<16x384xf32>
      %convert_element_type3A_305 = arith.truncf %while3A_284 : vector<16x128xf32> to vector<16x128xbf16>
      %dot_general3A_306 = arith.constant dense<0.000000e+00> : vector<16x384xf32>
      %dot_general3A_307 = tpu.matmul %convert_element_type3A_305, %convert_element_type3A_187, %dot_general3A_306 {dimension_numbers = #tpu.dot_dimension_numbers<[1], [0], [0], [1], [0, 0, 1, 1], [], []>, transpose_lhs_hint = false} : vector<16x128xbf16>, vector<128x384xbf16>, vector<16x384xf32> -> vector<16x384xf32>
      %convert_element_type3A_308 = arith.truncf %while3A_285 : vector<16x128xf32> to vector<16x128xbf16>
      %dot_general3A_309 = arith.constant dense<0.000000e+00> : vector<16x384xf32>
      %dot_general3A_310 = tpu.matmul %convert_element_type3A_308, %convert_element_type3A_199, %dot_general3A_309 {dimension_numbers = #tpu.dot_dimension_numbers<[1], [0], [0], [1], [0, 0, 1, 1], [], []>, transpose_lhs_hint = false} : vector<16x128xbf16>, vector<128x384xbf16>, vector<16x384xf32> -> vector<16x384xf32>
      %slice3A_311 = vector.extract_strided_slice %get3A_299 {offsets = [0, 0], sizes = [16, 128], strides = [1, 1]} : vector<16x384xf32> to vector<16x128xf32>
      %slice3A_312 = vector.extract_strided_slice %dot_general3A_307 {offsets = [0, 0], sizes = [16, 128], strides = [1, 1]} : vector<16x384xf32> to vector<16x128xf32>
      %add3A_313 = arith.addf %slice3A_311, %slice3A_312 : vector<16x128xf32>
      %tanh3A = math.tanh %add3A_313 : vector<16x128xf32>
      %slice3A_314 = vector.extract_strided_slice %get3A_299 {offsets = [0, 256], sizes = [16, 128], strides = [1, 1]} : vector<16x384xf32> to vector<16x128xf32>
      %slice3A_315 = vector.extract_strided_slice %dot_general3A_307 {offsets = [0, 256], sizes = [16, 128], strides = [1, 1]} : vector<16x384xf32> to vector<16x128xf32>
      %add3A_316 = arith.addf %slice3A_314, %slice3A_315 : vector<16x128xf32>
      %tanh3A_317 = math.tanh %add3A_316 : vector<16x128xf32>
      %slice3A_318 = vector.extract_strided_slice %get3A_299 {offsets = [0, 128], sizes = [16, 128], strides = [1, 1]} : vector<16x384xf32> to vector<16x128xf32>
      %add3A_319 = arith.constant 1.000000e+00 : f32
      %add3A_320 = vector.broadcast %add3A_319 : f32 to vector<16x128xf32>
      %add3A_321 = arith.addf %tanh3A, %add3A_320 : vector<16x128xf32>
      %slice3A_322 = vector.extract_strided_slice %dot_general3A_307 {offsets = [0, 128], sizes = [16, 128], strides = [1, 1]} : vector<16x384xf32> to vector<16x128xf32>
      %add3A_323 = vector.broadcast %mul3A_210 : vector<1x128xf32> to vector<16x128xf32>
      %add3A_324 = arith.addf %slice3A_322, %add3A_323 : vector<16x128xf32>
      %mul3A_325 = arith.mulf %add3A_321, %add3A_324 : vector<16x128xf32>
      %add3A_326 = arith.addf %slice3A_318, %mul3A_325 : vector<16x128xf32>
      %tanh3A_327 = math.tanh %add3A_326 : vector<16x128xf32>
      %mul3A_328 = arith.constant 5.000000e-01 : f32
      %mul3A_329 = vector.broadcast %mul3A_328 : f32 to vector<16x128xf32>
      %mul3A_330 = arith.mulf %mul3A_329, %tanh3A_317 : vector<16x128xf32>
      %sub3A_331 = arith.constant 5.000000e-01 : f32
      %sub3A_332 = vector.broadcast %sub3A_331 : f32 to vector<16x128xf32>
      %sub3A_333 = arith.subf %sub3A_332, %mul3A_330 : vector<16x128xf32>
      %mul3A_334 = arith.constant 5.000000e-01 : f32
      %mul3A_335 = vector.broadcast %mul3A_334 : f32 to vector<16x128xf32>
      %mul3A_336 = arith.mulf %mul3A_335, %tanh3A_317 : vector<16x128xf32>
      %add3A_337 = arith.constant 5.000000e-01 : f32
      %add3A_338 = vector.broadcast %add3A_337 : f32 to vector<16x128xf32>
      %add3A_339 = arith.addf %add3A_338, %mul3A_336 : vector<16x128xf32>
      %mul3A_340 = arith.mulf %sub3A_333, %tanh3A_327 : vector<16x128xf32>
      %mul3A_341 = arith.mulf %add3A_339, %while3A_284 : vector<16x128xf32>
      %add3A_342 = arith.addf %mul3A_340, %mul3A_341 : vector<16x128xf32>
      %slice3A_343 = vector.extract_strided_slice %get3A_304 {offsets = [0, 0], sizes = [16, 128], strides = [1, 1]} : vector<16x384xf32> to vector<16x128xf32>
      %slice3A_344 = vector.extract_strided_slice %dot_general3A_310 {offsets = [0, 0], sizes = [16, 128], strides = [1, 1]} : vector<16x384xf32> to vector<16x128xf32>
      %add3A_345 = arith.addf %slice3A_343, %slice3A_344 : vector<16x128xf32>
      %tanh3A_346 = math.tanh %add3A_345 : vector<16x128xf32>
      %slice3A_347 = vector.extract_strided_slice %get3A_304 {offsets = [0, 256], sizes = [16, 128], strides = [1, 1]} : vector<16x384xf32> to vector<16x128xf32>
      %slice3A_348 = vector.extract_strided_slice %dot_general3A_310 {offsets = [0, 256], sizes = [16, 128], strides = [1, 1]} : vector<16x384xf32> to vector<16x128xf32>
      %add3A_349 = arith.addf %slice3A_347, %slice3A_348 : vector<16x128xf32>
      %tanh3A_350 = math.tanh %add3A_349 : vector<16x128xf32>
      %slice3A_351 = vector.extract_strided_slice %get3A_304 {offsets = [0, 128], sizes = [16, 128], strides = [1, 1]} : vector<16x384xf32> to vector<16x128xf32>
      %add3A_352 = arith.constant 1.000000e+00 : f32
      %add3A_353 = vector.broadcast %add3A_352 : f32 to vector<16x128xf32>
      %add3A_354 = arith.addf %tanh3A_346, %add3A_353 : vector<16x128xf32>
      %slice3A_355 = vector.extract_strided_slice %dot_general3A_310 {offsets = [0, 128], sizes = [16, 128], strides = [1, 1]} : vector<16x384xf32> to vector<16x128xf32>
      %add3A_356 = vector.broadcast %mul3A_221 : vector<1x128xf32> to vector<16x128xf32>
      %add3A_357 = arith.addf %slice3A_355, %add3A_356 : vector<16x128xf32>
      %mul3A_358 = arith.mulf %add3A_354, %add3A_357 : vector<16x128xf32>
      %add3A_359 = arith.addf %slice3A_351, %mul3A_358 : vector<16x128xf32>
      %tanh3A_360 = math.tanh %add3A_359 : vector<16x128xf32>
      %mul3A_361 = arith.constant 5.000000e-01 : f32
      %mul3A_362 = vector.broadcast %mul3A_361 : f32 to vector<16x128xf32>
      %mul3A_363 = arith.mulf %mul3A_362, %tanh3A_350 : vector<16x128xf32>
      %sub3A_364 = arith.constant 5.000000e-01 : f32
      %sub3A_365 = vector.broadcast %sub3A_364 : f32 to vector<16x128xf32>
      %sub3A_366 = arith.subf %sub3A_365, %mul3A_363 : vector<16x128xf32>
      %mul3A_367 = arith.constant 5.000000e-01 : f32
      %mul3A_368 = vector.broadcast %mul3A_367 : f32 to vector<16x128xf32>
      %mul3A_369 = arith.mulf %mul3A_368, %tanh3A_350 : vector<16x128xf32>
      %add3A_370 = arith.constant 5.000000e-01 : f32
      %add3A_371 = vector.broadcast %add3A_370 : f32 to vector<16x128xf32>
      %add3A_372 = arith.addf %add3A_371, %mul3A_369 : vector<16x128xf32>
      %mul3A_373 = arith.mulf %sub3A_366, %tanh3A_360 : vector<16x128xf32>
      %mul3A_374 = arith.mulf %add3A_372, %while3A_285 : vector<16x128xf32>
      %add3A_375 = arith.addf %mul3A_373, %mul3A_374 : vector<16x128xf32>
      %lt3A = vector.broadcast %add3A_291 : i32 to vector<16x128xi32>
      %lt3A_376 = arith.cmpi slt, %lt3A, %broadcast_in_dim3A_226 : vector<16x128xi32>
      %lt3A_377 = vector.broadcast %sub3A_294 : i32 to vector<16x128xi32>
      %lt3A_378 = arith.cmpi slt, %lt3A_377, %broadcast_in_dim3A_226 : vector<16x128xi32>
      %select_n3A_379 = arith.select %lt3A_378, %add3A_375, %while3A_285 : vector<16x128xi1>, vector<16x128xf32>
      %broadcast_in_dim3A_380 = vector.broadcast %while3A : f32 to vector<16x128xf32>
      %select_n3A_381 = arith.select %lt3A_376, %add3A_342, %broadcast_in_dim3A_380 : vector<16x128xi1>, vector<16x128xf32>
      %max3A = arith.maximumf %while3A_286, %select_n3A_381 : vector<16x128xf32>
      %broadcast_in_dim3A_382 = vector.broadcast %while3A : f32 to vector<16x128xf32>
      %select_n3A_383 = arith.select %lt3A_378, %select_n3A_379, %broadcast_in_dim3A_382 : vector<16x128xi1>, vector<16x128xf32>
      %max3A_384 = arith.maximumf %while3A_287, %select_n3A_383 : vector<16x128xf32>
      %add3A_385 = arith.constant 1 : i32
      %add3A_386 = arith.addi %mul3A_289, %add3A_385 : i32
      %sub3A_387 = arith.constant 1 : i32
      %sub3A_388 = arith.subi %mul3A_253, %sub3A_387 : i32
      %sub3A_389 = arith.subi %sub3A_388, %add3A_386 : i32
      %mul3A_390 = arith.constant 16 : i32
      %mul3A_391 = arith.muli %add3A_386, %mul3A_390 : i32
      %get3A_392 = arith.index_cast %mul3A_391 : i32 to index
      %get3A_393 = arith.constant 0 : index
      %get3A_394 = vector.load %arg15[%get3A_392, %get3A_393] : memref<8192x768xf32, #tpu.memory_space<vmem>>, vector<16x384xf32>
      %mul3A_395 = arith.constant 16 : i32
      %mul3A_396 = arith.muli %sub3A_389, %mul3A_395 : i32
      %get3A_397 = arith.index_cast %mul3A_396 : i32 to index
      %get3A_398 = arith.constant 384 : index
      %get3A_399 = vector.load %arg15[%get3A_397, %get3A_398] : memref<8192x768xf32, #tpu.memory_space<vmem>>, vector<16x384xf32>
      %convert_element_type3A_400 = arith.truncf %add3A_342 : vector<16x128xf32> to vector<16x128xbf16>
      %dot_general3A_401 = arith.constant dense<0.000000e+00> : vector<16x384xf32>
      %dot_general3A_402 = tpu.matmul %convert_element_type3A_400, %convert_element_type3A_187, %dot_general3A_401 {dimension_numbers = #tpu.dot_dimension_numbers<[1], [0], [0], [1], [0, 0, 1, 1], [], []>, transpose_lhs_hint = false} : vector<16x128xbf16>, vector<128x384xbf16>, vector<16x384xf32> -> vector<16x384xf32>
      %convert_element_type3A_403 = arith.truncf %select_n3A_379 : vector<16x128xf32> to vector<16x128xbf16>
      %dot_general3A_404 = arith.constant dense<0.000000e+00> : vector<16x384xf32>
      %dot_general3A_405 = tpu.matmul %convert_element_type3A_403, %convert_element_type3A_199, %dot_general3A_404 {dimension_numbers = #tpu.dot_dimension_numbers<[1], [0], [0], [1], [0, 0, 1, 1], [], []>, transpose_lhs_hint = false} : vector<16x128xbf16>, vector<128x384xbf16>, vector<16x384xf32> -> vector<16x384xf32>
      %slice3A_406 = vector.extract_strided_slice %get3A_394 {offsets = [0, 0], sizes = [16, 128], strides = [1, 1]} : vector<16x384xf32> to vector<16x128xf32>
      %slice3A_407 = vector.extract_strided_slice %dot_general3A_402 {offsets = [0, 0], sizes = [16, 128], strides = [1, 1]} : vector<16x384xf32> to vector<16x128xf32>
      %add3A_408 = arith.addf %slice3A_406, %slice3A_407 : vector<16x128xf32>
      %tanh3A_409 = math.tanh %add3A_408 : vector<16x128xf32>
      %slice3A_410 = vector.extract_strided_slice %get3A_394 {offsets = [0, 256], sizes = [16, 128], strides = [1, 1]} : vector<16x384xf32> to vector<16x128xf32>
      %slice3A_411 = vector.extract_strided_slice %dot_general3A_402 {offsets = [0, 256], sizes = [16, 128], strides = [1, 1]} : vector<16x384xf32> to vector<16x128xf32>
      %add3A_412 = arith.addf %slice3A_410, %slice3A_411 : vector<16x128xf32>
      %tanh3A_413 = math.tanh %add3A_412 : vector<16x128xf32>
      %slice3A_414 = vector.extract_strided_slice %get3A_394 {offsets = [0, 128], sizes = [16, 128], strides = [1, 1]} : vector<16x384xf32> to vector<16x128xf32>
      %add3A_415 = arith.constant 1.000000e+00 : f32
      %add3A_416 = vector.broadcast %add3A_415 : f32 to vector<16x128xf32>
      %add3A_417 = arith.addf %tanh3A_409, %add3A_416 : vector<16x128xf32>
      %slice3A_418 = vector.extract_strided_slice %dot_general3A_402 {offsets = [0, 128], sizes = [16, 128], strides = [1, 1]} : vector<16x384xf32> to vector<16x128xf32>
      %add3A_419 = vector.broadcast %mul3A_210 : vector<1x128xf32> to vector<16x128xf32>
      %add3A_420 = arith.addf %slice3A_418, %add3A_419 : vector<16x128xf32>
      %mul3A_421 = arith.mulf %add3A_417, %add3A_420 : vector<16x128xf32>
      %add3A_422 = arith.addf %slice3A_414, %mul3A_421 : vector<16x128xf32>
      %tanh3A_423 = math.tanh %add3A_422 : vector<16x128xf32>
      %mul3A_424 = arith.constant 5.000000e-01 : f32
      %mul3A_425 = vector.broadcast %mul3A_424 : f32 to vector<16x128xf32>
      %mul3A_426 = arith.mulf %mul3A_425, %tanh3A_413 : vector<16x128xf32>
      %sub3A_427 = arith.constant 5.000000e-01 : f32
      %sub3A_428 = vector.broadcast %sub3A_427 : f32 to vector<16x128xf32>
      %sub3A_429 = arith.subf %sub3A_428, %mul3A_426 : vector<16x128xf32>
      %mul3A_430 = arith.constant 5.000000e-01 : f32
      %mul3A_431 = vector.broadcast %mul3A_430 : f32 to vector<16x128xf32>
      %mul3A_432 = arith.mulf %mul3A_431, %tanh3A_413 : vector<16x128xf32>
      %add3A_433 = arith.constant 5.000000e-01 : f32
      %add3A_434 = vector.broadcast %add3A_433 : f32 to vector<16x128xf32>
      %add3A_435 = arith.addf %add3A_434, %mul3A_432 : vector<16x128xf32>
      %mul3A_436 = arith.mulf %sub3A_429, %tanh3A_423 : vector<16x128xf32>
      %mul3A_437 = arith.mulf %add3A_435, %add3A_342 : vector<16x128xf32>
      %add3A_438 = arith.addf %mul3A_436, %mul3A_437 : vector<16x128xf32>
      %slice3A_439 = vector.extract_strided_slice %get3A_399 {offsets = [0, 0], sizes = [16, 128], strides = [1, 1]} : vector<16x384xf32> to vector<16x128xf32>
      %slice3A_440 = vector.extract_strided_slice %dot_general3A_405 {offsets = [0, 0], sizes = [16, 128], strides = [1, 1]} : vector<16x384xf32> to vector<16x128xf32>
      %add3A_441 = arith.addf %slice3A_439, %slice3A_440 : vector<16x128xf32>
      %tanh3A_442 = math.tanh %add3A_441 : vector<16x128xf32>
      %slice3A_443 = vector.extract_strided_slice %get3A_399 {offsets = [0, 256], sizes = [16, 128], strides = [1, 1]} : vector<16x384xf32> to vector<16x128xf32>
      %slice3A_444 = vector.extract_strided_slice %dot_general3A_405 {offsets = [0, 256], sizes = [16, 128], strides = [1, 1]} : vector<16x384xf32> to vector<16x128xf32>
      %add3A_445 = arith.addf %slice3A_443, %slice3A_444 : vector<16x128xf32>
      %tanh3A_446 = math.tanh %add3A_445 : vector<16x128xf32>
      %slice3A_447 = vector.extract_strided_slice %get3A_399 {offsets = [0, 128], sizes = [16, 128], strides = [1, 1]} : vector<16x384xf32> to vector<16x128xf32>
      %add3A_448 = arith.constant 1.000000e+00 : f32
      %add3A_449 = vector.broadcast %add3A_448 : f32 to vector<16x128xf32>
      %add3A_450 = arith.addf %tanh3A_442, %add3A_449 : vector<16x128xf32>
      %slice3A_451 = vector.extract_strided_slice %dot_general3A_405 {offsets = [0, 128], sizes = [16, 128], strides = [1, 1]} : vector<16x384xf32> to vector<16x128xf32>
      %add3A_452 = vector.broadcast %mul3A_221 : vector<1x128xf32> to vector<16x128xf32>
      %add3A_453 = arith.addf %slice3A_451, %add3A_452 : vector<16x128xf32>
      %mul3A_454 = arith.mulf %add3A_450, %add3A_453 : vector<16x128xf32>
      %add3A_455 = arith.addf %slice3A_447, %mul3A_454 : vector<16x128xf32>
      %tanh3A_456 = math.tanh %add3A_455 : vector<16x128xf32>
      %mul3A_457 = arith.constant 5.000000e-01 : f32
      %mul3A_458 = vector.broadcast %mul3A_457 : f32 to vector<16x128xf32>
      %mul3A_459 = arith.mulf %mul3A_458, %tanh3A_446 : vector<16x128xf32>
      %sub3A_460 = arith.constant 5.000000e-01 : f32
      %sub3A_461 = vector.broadcast %sub3A_460 : f32 to vector<16x128xf32>
      %sub3A_462 = arith.subf %sub3A_461, %mul3A_459 : vector<16x128xf32>
      %mul3A_463 = arith.constant 5.000000e-01 : f32
      %mul3A_464 = vector.broadcast %mul3A_463 : f32 to vector<16x128xf32>
      %mul3A_465 = arith.mulf %mul3A_464, %tanh3A_446 : vector<16x128xf32>
      %add3A_466 = arith.constant 5.000000e-01 : f32
      %add3A_467 = vector.broadcast %add3A_466 : f32 to vector<16x128xf32>
      %add3A_468 = arith.addf %add3A_467, %mul3A_465 : vector<16x128xf32>
      %mul3A_469 = arith.mulf %sub3A_462, %tanh3A_456 : vector<16x128xf32>
      %mul3A_470 = arith.mulf %add3A_468, %select_n3A_379 : vector<16x128xf32>
      %add3A_471 = arith.addf %mul3A_469, %mul3A_470 : vector<16x128xf32>
      %lt3A_472 = vector.broadcast %add3A_386 : i32 to vector<16x128xi32>
      %lt3A_473 = arith.cmpi slt, %lt3A_472, %broadcast_in_dim3A_226 : vector<16x128xi32>
      %lt3A_474 = vector.broadcast %sub3A_389 : i32 to vector<16x128xi32>
      %lt3A_475 = arith.cmpi slt, %lt3A_474, %broadcast_in_dim3A_226 : vector<16x128xi32>
      %select_n3A_476 = arith.select %lt3A_475, %add3A_471, %select_n3A_379 : vector<16x128xi1>, vector<16x128xf32>
      %broadcast_in_dim3A_477 = vector.broadcast %while3A : f32 to vector<16x128xf32>
      %select_n3A_478 = arith.select %lt3A_473, %add3A_438, %broadcast_in_dim3A_477 : vector<16x128xi1>, vector<16x128xf32>
      %max3A_479 = arith.maximumf %max3A, %select_n3A_478 : vector<16x128xf32>
      %broadcast_in_dim3A_480 = vector.broadcast %while3A : f32 to vector<16x128xf32>
      %select_n3A_481 = arith.select %lt3A_475, %select_n3A_476, %broadcast_in_dim3A_480 : vector<16x128xi1>, vector<16x128xf32>
      %max3A_482 = arith.maximumf %max3A_384, %select_n3A_481 : vector<16x128xf32>
      %add3A_483 = arith.constant 2 : i32
      %add3A_484 = arith.addi %mul3A_289, %add3A_483 : i32
      %sub3A_485 = arith.constant 1 : i32
      %sub3A_486 = arith.subi %mul3A_253, %sub3A_485 : i32
      %sub3A_487 = arith.subi %sub3A_486, %add3A_484 : i32
      %mul3A_488 = arith.constant 16 : i32
      %mul3A_489 = arith.muli %add3A_484, %mul3A_488 : i32
      %get3A_490 = arith.index_cast %mul3A_489 : i32 to index
      %get3A_491 = arith.constant 0 : index
      %get3A_492 = vector.load %arg15[%get3A_490, %get3A_491] : memref<8192x768xf32, #tpu.memory_space<vmem>>, vector<16x384xf32>
      %mul3A_493 = arith.constant 16 : i32
      %mul3A_494 = arith.muli %sub3A_487, %mul3A_493 : i32
      %get3A_495 = arith.index_cast %mul3A_494 : i32 to index
      %get3A_496 = arith.constant 384 : index
      %get3A_497 = vector.load %arg15[%get3A_495, %get3A_496] : memref<8192x768xf32, #tpu.memory_space<vmem>>, vector<16x384xf32>
      %convert_element_type3A_498 = arith.truncf %add3A_438 : vector<16x128xf32> to vector<16x128xbf16>
      %dot_general3A_499 = arith.constant dense<0.000000e+00> : vector<16x384xf32>
      %dot_general3A_500 = tpu.matmul %convert_element_type3A_498, %convert_element_type3A_187, %dot_general3A_499 {dimension_numbers = #tpu.dot_dimension_numbers<[1], [0], [0], [1], [0, 0, 1, 1], [], []>, transpose_lhs_hint = false} : vector<16x128xbf16>, vector<128x384xbf16>, vector<16x384xf32> -> vector<16x384xf32>
      %convert_element_type3A_501 = arith.truncf %select_n3A_476 : vector<16x128xf32> to vector<16x128xbf16>
      %dot_general3A_502 = arith.constant dense<0.000000e+00> : vector<16x384xf32>
      %dot_general3A_503 = tpu.matmul %convert_element_type3A_501, %convert_element_type3A_199, %dot_general3A_502 {dimension_numbers = #tpu.dot_dimension_numbers<[1], [0], [0], [1], [0, 0, 1, 1], [], []>, transpose_lhs_hint = false} : vector<16x128xbf16>, vector<128x384xbf16>, vector<16x384xf32> -> vector<16x384xf32>
      %slice3A_504 = vector.extract_strided_slice %get3A_492 {offsets = [0, 0], sizes = [16, 128], strides = [1, 1]} : vector<16x384xf32> to vector<16x128xf32>
      %slice3A_505 = vector.extract_strided_slice %dot_general3A_500 {offsets = [0, 0], sizes = [16, 128], strides = [1, 1]} : vector<16x384xf32> to vector<16x128xf32>
      %add3A_506 = arith.addf %slice3A_504, %slice3A_505 : vector<16x128xf32>
      %tanh3A_507 = math.tanh %add3A_506 : vector<16x128xf32>
      %slice3A_508 = vector.extract_strided_slice %get3A_492 {offsets = [0, 256], sizes = [16, 128], strides = [1, 1]} : vector<16x384xf32> to vector<16x128xf32>
      %slice3A_509 = vector.extract_strided_slice %dot_general3A_500 {offsets = [0, 256], sizes = [16, 128], strides = [1, 1]} : vector<16x384xf32> to vector<16x128xf32>
      %add3A_510 = arith.addf %slice3A_508, %slice3A_509 : vector<16x128xf32>
      %tanh3A_511 = math.tanh %add3A_510 : vector<16x128xf32>
      %slice3A_512 = vector.extract_strided_slice %get3A_492 {offsets = [0, 128], sizes = [16, 128], strides = [1, 1]} : vector<16x384xf32> to vector<16x128xf32>
      %add3A_513 = arith.constant 1.000000e+00 : f32
      %add3A_514 = vector.broadcast %add3A_513 : f32 to vector<16x128xf32>
      %add3A_515 = arith.addf %tanh3A_507, %add3A_514 : vector<16x128xf32>
      %slice3A_516 = vector.extract_strided_slice %dot_general3A_500 {offsets = [0, 128], sizes = [16, 128], strides = [1, 1]} : vector<16x384xf32> to vector<16x128xf32>
      %add3A_517 = vector.broadcast %mul3A_210 : vector<1x128xf32> to vector<16x128xf32>
      %add3A_518 = arith.addf %slice3A_516, %add3A_517 : vector<16x128xf32>
      %mul3A_519 = arith.mulf %add3A_515, %add3A_518 : vector<16x128xf32>
      %add3A_520 = arith.addf %slice3A_512, %mul3A_519 : vector<16x128xf32>
      %tanh3A_521 = math.tanh %add3A_520 : vector<16x128xf32>
      %mul3A_522 = arith.constant 5.000000e-01 : f32
      %mul3A_523 = vector.broadcast %mul3A_522 : f32 to vector<16x128xf32>
      %mul3A_524 = arith.mulf %mul3A_523, %tanh3A_511 : vector<16x128xf32>
      %sub3A_525 = arith.constant 5.000000e-01 : f32
      %sub3A_526 = vector.broadcast %sub3A_525 : f32 to vector<16x128xf32>
      %sub3A_527 = arith.subf %sub3A_526, %mul3A_524 : vector<16x128xf32>
      %mul3A_528 = arith.constant 5.000000e-01 : f32
      %mul3A_529 = vector.broadcast %mul3A_528 : f32 to vector<16x128xf32>
      %mul3A_530 = arith.mulf %mul3A_529, %tanh3A_511 : vector<16x128xf32>
      %add3A_531 = arith.constant 5.000000e-01 : f32
      %add3A_532 = vector.broadcast %add3A_531 : f32 to vector<16x128xf32>
      %add3A_533 = arith.addf %add3A_532, %mul3A_530 : vector<16x128xf32>
      %mul3A_534 = arith.mulf %sub3A_527, %tanh3A_521 : vector<16x128xf32>
      %mul3A_535 = arith.mulf %add3A_533, %add3A_438 : vector<16x128xf32>
      %add3A_536 = arith.addf %mul3A_534, %mul3A_535 : vector<16x128xf32>
      %slice3A_537 = vector.extract_strided_slice %get3A_497 {offsets = [0, 0], sizes = [16, 128], strides = [1, 1]} : vector<16x384xf32> to vector<16x128xf32>
      %slice3A_538 = vector.extract_strided_slice %dot_general3A_503 {offsets = [0, 0], sizes = [16, 128], strides = [1, 1]} : vector<16x384xf32> to vector<16x128xf32>
      %add3A_539 = arith.addf %slice3A_537, %slice3A_538 : vector<16x128xf32>
      %tanh3A_540 = math.tanh %add3A_539 : vector<16x128xf32>
      %slice3A_541 = vector.extract_strided_slice %get3A_497 {offsets = [0, 256], sizes = [16, 128], strides = [1, 1]} : vector<16x384xf32> to vector<16x128xf32>
      %slice3A_542 = vector.extract_strided_slice %dot_general3A_503 {offsets = [0, 256], sizes = [16, 128], strides = [1, 1]} : vector<16x384xf32> to vector<16x128xf32>
      %add3A_543 = arith.addf %slice3A_541, %slice3A_542 : vector<16x128xf32>
      %tanh3A_544 = math.tanh %add3A_543 : vector<16x128xf32>
      %slice3A_545 = vector.extract_strided_slice %get3A_497 {offsets = [0, 128], sizes = [16, 128], strides = [1, 1]} : vector<16x384xf32> to vector<16x128xf32>
      %add3A_546 = arith.constant 1.000000e+00 : f32
      %add3A_547 = vector.broadcast %add3A_546 : f32 to vector<16x128xf32>
      %add3A_548 = arith.addf %tanh3A_540, %add3A_547 : vector<16x128xf32>
      %slice3A_549 = vector.extract_strided_slice %dot_general3A_503 {offsets = [0, 128], sizes = [16, 128], strides = [1, 1]} : vector<16x384xf32> to vector<16x128xf32>
      %add3A_550 = vector.broadcast %mul3A_221 : vector<1x128xf32> to vector<16x128xf32>
      %add3A_551 = arith.addf %slice3A_549, %add3A_550 : vector<16x128xf32>
      %mul3A_552 = arith.mulf %add3A_548, %add3A_551 : vector<16x128xf32>
      %add3A_553 = arith.addf %slice3A_545, %mul3A_552 : vector<16x128xf32>
      %tanh3A_554 = math.tanh %add3A_553 : vector<16x128xf32>
      %mul3A_555 = arith.constant 5.000000e-01 : f32
      %mul3A_556 = vector.broadcast %mul3A_555 : f32 to vector<16x128xf32>
      %mul3A_557 = arith.mulf %mul3A_556, %tanh3A_544 : vector<16x128xf32>
      %sub3A_558 = arith.constant 5.000000e-01 : f32
      %sub3A_559 = vector.broadcast %sub3A_558 : f32 to vector<16x128xf32>
      %sub3A_560 = arith.subf %sub3A_559, %mul3A_557 : vector<16x128xf32>
      %mul3A_561 = arith.constant 5.000000e-01 : f32
      %mul3A_562 = vector.broadcast %mul3A_561 : f32 to vector<16x128xf32>
      %mul3A_563 = arith.mulf %mul3A_562, %tanh3A_544 : vector<16x128xf32>
      %add3A_564 = arith.constant 5.000000e-01 : f32
      %add3A_565 = vector.broadcast %add3A_564 : f32 to vector<16x128xf32>
      %add3A_566 = arith.addf %add3A_565, %mul3A_563 : vector<16x128xf32>
      %mul3A_567 = arith.mulf %sub3A_560, %tanh3A_554 : vector<16x128xf32>
      %mul3A_568 = arith.mulf %add3A_566, %select_n3A_476 : vector<16x128xf32>
      %add3A_569 = arith.addf %mul3A_567, %mul3A_568 : vector<16x128xf32>
      %lt3A_570 = vector.broadcast %add3A_484 : i32 to vector<16x128xi32>
      %lt3A_571 = arith.cmpi slt, %lt3A_570, %broadcast_in_dim3A_226 : vector<16x128xi32>
      %lt3A_572 = vector.broadcast %sub3A_487 : i32 to vector<16x128xi32>
      %lt3A_573 = arith.cmpi slt, %lt3A_572, %broadcast_in_dim3A_226 : vector<16x128xi32>
      %select_n3A_574 = arith.select %lt3A_573, %add3A_569, %select_n3A_476 : vector<16x128xi1>, vector<16x128xf32>
      %broadcast_in_dim3A_575 = vector.broadcast %while3A : f32 to vector<16x128xf32>
      %select_n3A_576 = arith.select %lt3A_571, %add3A_536, %broadcast_in_dim3A_575 : vector<16x128xi1>, vector<16x128xf32>
      %max3A_577 = arith.maximumf %max3A_479, %select_n3A_576 : vector<16x128xf32>
      %broadcast_in_dim3A_578 = vector.broadcast %while3A : f32 to vector<16x128xf32>
      %select_n3A_579 = arith.select %lt3A_573, %select_n3A_574, %broadcast_in_dim3A_578 : vector<16x128xi1>, vector<16x128xf32>
      %max3A_580 = arith.maximumf %max3A_482, %select_n3A_579 : vector<16x128xf32>
      %add3A_581 = arith.constant 3 : i32
      %add3A_582 = arith.addi %mul3A_289, %add3A_581 : i32
      %sub3A_583 = arith.constant 1 : i32
      %sub3A_584 = arith.subi %mul3A_253, %sub3A_583 : i32
      %sub3A_585 = arith.subi %sub3A_584, %add3A_582 : i32
      %mul3A_586 = arith.constant 16 : i32
      %mul3A_587 = arith.muli %add3A_582, %mul3A_586 : i32
      %get3A_588 = arith.index_cast %mul3A_587 : i32 to index
      %get3A_589 = arith.constant 0 : index
      %get3A_590 = vector.load %arg15[%get3A_588, %get3A_589] : memref<8192x768xf32, #tpu.memory_space<vmem>>, vector<16x384xf32>
      %mul3A_591 = arith.constant 16 : i32
      %mul3A_592 = arith.muli %sub3A_585, %mul3A_591 : i32
      %get3A_593 = arith.index_cast %mul3A_592 : i32 to index
      %get3A_594 = arith.constant 384 : index
      %get3A_595 = vector.load %arg15[%get3A_593, %get3A_594] : memref<8192x768xf32, #tpu.memory_space<vmem>>, vector<16x384xf32>
      %convert_element_type3A_596 = arith.truncf %add3A_536 : vector<16x128xf32> to vector<16x128xbf16>
      %dot_general3A_597 = arith.constant dense<0.000000e+00> : vector<16x384xf32>
      %dot_general3A_598 = tpu.matmul %convert_element_type3A_596, %convert_element_type3A_187, %dot_general3A_597 {dimension_numbers = #tpu.dot_dimension_numbers<[1], [0], [0], [1], [0, 0, 1, 1], [], []>, transpose_lhs_hint = false} : vector<16x128xbf16>, vector<128x384xbf16>, vector<16x384xf32> -> vector<16x384xf32>
      %convert_element_type3A_599 = arith.truncf %select_n3A_574 : vector<16x128xf32> to vector<16x128xbf16>
      %dot_general3A_600 = arith.constant dense<0.000000e+00> : vector<16x384xf32>
      %dot_general3A_601 = tpu.matmul %convert_element_type3A_599, %convert_element_type3A_199, %dot_general3A_600 {dimension_numbers = #tpu.dot_dimension_numbers<[1], [0], [0], [1], [0, 0, 1, 1], [], []>, transpose_lhs_hint = false} : vector<16x128xbf16>, vector<128x384xbf16>, vector<16x384xf32> -> vector<16x384xf32>
      %slice3A_602 = vector.extract_strided_slice %get3A_590 {offsets = [0, 0], sizes = [16, 128], strides = [1, 1]} : vector<16x384xf32> to vector<16x128xf32>
      %slice3A_603 = vector.extract_strided_slice %dot_general3A_598 {offsets = [0, 0], sizes = [16, 128], strides = [1, 1]} : vector<16x384xf32> to vector<16x128xf32>
      %add3A_604 = arith.addf %slice3A_602, %slice3A_603 : vector<16x128xf32>
      %tanh3A_605 = math.tanh %add3A_604 : vector<16x128xf32>
      %slice3A_606 = vector.extract_strided_slice %get3A_590 {offsets = [0, 256], sizes = [16, 128], strides = [1, 1]} : vector<16x384xf32> to vector<16x128xf32>
      %slice3A_607 = vector.extract_strided_slice %dot_general3A_598 {offsets = [0, 256], sizes = [16, 128], strides = [1, 1]} : vector<16x384xf32> to vector<16x128xf32>
      %add3A_608 = arith.addf %slice3A_606, %slice3A_607 : vector<16x128xf32>
      %tanh3A_609 = math.tanh %add3A_608 : vector<16x128xf32>
      %slice3A_610 = vector.extract_strided_slice %get3A_590 {offsets = [0, 128], sizes = [16, 128], strides = [1, 1]} : vector<16x384xf32> to vector<16x128xf32>
      %add3A_611 = arith.constant 1.000000e+00 : f32
      %add3A_612 = vector.broadcast %add3A_611 : f32 to vector<16x128xf32>
      %add3A_613 = arith.addf %tanh3A_605, %add3A_612 : vector<16x128xf32>
      %slice3A_614 = vector.extract_strided_slice %dot_general3A_598 {offsets = [0, 128], sizes = [16, 128], strides = [1, 1]} : vector<16x384xf32> to vector<16x128xf32>
      %add3A_615 = vector.broadcast %mul3A_210 : vector<1x128xf32> to vector<16x128xf32>
      %add3A_616 = arith.addf %slice3A_614, %add3A_615 : vector<16x128xf32>
      %mul3A_617 = arith.mulf %add3A_613, %add3A_616 : vector<16x128xf32>
      %add3A_618 = arith.addf %slice3A_610, %mul3A_617 : vector<16x128xf32>
      %tanh3A_619 = math.tanh %add3A_618 : vector<16x128xf32>
      %mul3A_620 = arith.constant 5.000000e-01 : f32
      %mul3A_621 = vector.broadcast %mul3A_620 : f32 to vector<16x128xf32>
      %mul3A_622 = arith.mulf %mul3A_621, %tanh3A_609 : vector<16x128xf32>
      %sub3A_623 = arith.constant 5.000000e-01 : f32
      %sub3A_624 = vector.broadcast %sub3A_623 : f32 to vector<16x128xf32>
      %sub3A_625 = arith.subf %sub3A_624, %mul3A_622 : vector<16x128xf32>
      %mul3A_626 = arith.constant 5.000000e-01 : f32
      %mul3A_627 = vector.broadcast %mul3A_626 : f32 to vector<16x128xf32>
      %mul3A_628 = arith.mulf %mul3A_627, %tanh3A_609 : vector<16x128xf32>
      %add3A_629 = arith.constant 5.000000e-01 : f32
      %add3A_630 = vector.broadcast %add3A_629 : f32 to vector<16x128xf32>
      %add3A_631 = arith.addf %add3A_630, %mul3A_628 : vector<16x128xf32>
      %mul3A_632 = arith.mulf %sub3A_625, %tanh3A_619 : vector<16x128xf32>
      %mul3A_633 = arith.mulf %add3A_631, %add3A_536 : vector<16x128xf32>
      %add3A_634 = arith.addf %mul3A_632, %mul3A_633 : vector<16x128xf32>
      %slice3A_635 = vector.extract_strided_slice %get3A_595 {offsets = [0, 0], sizes = [16, 128], strides = [1, 1]} : vector<16x384xf32> to vector<16x128xf32>
      %slice3A_636 = vector.extract_strided_slice %dot_general3A_601 {offsets = [0, 0], sizes = [16, 128], strides = [1, 1]} : vector<16x384xf32> to vector<16x128xf32>
      %add3A_637 = arith.addf %slice3A_635, %slice3A_636 : vector<16x128xf32>
      %tanh3A_638 = math.tanh %add3A_637 : vector<16x128xf32>
      %slice3A_639 = vector.extract_strided_slice %get3A_595 {offsets = [0, 256], sizes = [16, 128], strides = [1, 1]} : vector<16x384xf32> to vector<16x128xf32>
      %slice3A_640 = vector.extract_strided_slice %dot_general3A_601 {offsets = [0, 256], sizes = [16, 128], strides = [1, 1]} : vector<16x384xf32> to vector<16x128xf32>
      %add3A_641 = arith.addf %slice3A_639, %slice3A_640 : vector<16x128xf32>
      %tanh3A_642 = math.tanh %add3A_641 : vector<16x128xf32>
      %slice3A_643 = vector.extract_strided_slice %get3A_595 {offsets = [0, 128], sizes = [16, 128], strides = [1, 1]} : vector<16x384xf32> to vector<16x128xf32>
      %add3A_644 = arith.constant 1.000000e+00 : f32
      %add3A_645 = vector.broadcast %add3A_644 : f32 to vector<16x128xf32>
      %add3A_646 = arith.addf %tanh3A_638, %add3A_645 : vector<16x128xf32>
      %slice3A_647 = vector.extract_strided_slice %dot_general3A_601 {offsets = [0, 128], sizes = [16, 128], strides = [1, 1]} : vector<16x384xf32> to vector<16x128xf32>
      %add3A_648 = vector.broadcast %mul3A_221 : vector<1x128xf32> to vector<16x128xf32>
      %add3A_649 = arith.addf %slice3A_647, %add3A_648 : vector<16x128xf32>
      %mul3A_650 = arith.mulf %add3A_646, %add3A_649 : vector<16x128xf32>
      %add3A_651 = arith.addf %slice3A_643, %mul3A_650 : vector<16x128xf32>
      %tanh3A_652 = math.tanh %add3A_651 : vector<16x128xf32>
      %mul3A_653 = arith.constant 5.000000e-01 : f32
      %mul3A_654 = vector.broadcast %mul3A_653 : f32 to vector<16x128xf32>
      %mul3A_655 = arith.mulf %mul3A_654, %tanh3A_642 : vector<16x128xf32>
      %sub3A_656 = arith.constant 5.000000e-01 : f32
      %sub3A_657 = vector.broadcast %sub3A_656 : f32 to vector<16x128xf32>
      %sub3A_658 = arith.subf %sub3A_657, %mul3A_655 : vector<16x128xf32>
      %mul3A_659 = arith.constant 5.000000e-01 : f32
      %mul3A_660 = vector.broadcast %mul3A_659 : f32 to vector<16x128xf32>
      %mul3A_661 = arith.mulf %mul3A_660, %tanh3A_642 : vector<16x128xf32>
      %add3A_662 = arith.constant 5.000000e-01 : f32
      %add3A_663 = vector.broadcast %add3A_662 : f32 to vector<16x128xf32>
      %add3A_664 = arith.addf %add3A_663, %mul3A_661 : vector<16x128xf32>
      %mul3A_665 = arith.mulf %sub3A_658, %tanh3A_652 : vector<16x128xf32>
      %mul3A_666 = arith.mulf %add3A_664, %select_n3A_574 : vector<16x128xf32>
      %add3A_667 = arith.addf %mul3A_665, %mul3A_666 : vector<16x128xf32>
      %lt3A_668 = vector.broadcast %add3A_582 : i32 to vector<16x128xi32>
      %lt3A_669 = arith.cmpi slt, %lt3A_668, %broadcast_in_dim3A_226 : vector<16x128xi32>
      %lt3A_670 = vector.broadcast %sub3A_585 : i32 to vector<16x128xi32>
      %lt3A_671 = arith.cmpi slt, %lt3A_670, %broadcast_in_dim3A_226 : vector<16x128xi32>
      %select_n3A_672 = arith.select %lt3A_671, %add3A_667, %select_n3A_574 : vector<16x128xi1>, vector<16x128xf32>
      %broadcast_in_dim3A_673 = vector.broadcast %while3A : f32 to vector<16x128xf32>
      %select_n3A_674 = arith.select %lt3A_669, %add3A_634, %broadcast_in_dim3A_673 : vector<16x128xi1>, vector<16x128xf32>
      %max3A_675 = arith.maximumf %max3A_577, %select_n3A_674 : vector<16x128xf32>
      %broadcast_in_dim3A_676 = vector.broadcast %while3A : f32 to vector<16x128xf32>
      %select_n3A_677 = arith.select %lt3A_671, %select_n3A_672, %broadcast_in_dim3A_676 : vector<16x128xi1>, vector<16x128xf32>
      %max3A_678 = arith.maximumf %max3A_580, %select_n3A_677 : vector<16x128xf32>
      %add3A_679 = arith.constant 4 : i32
      %add3A_680 = arith.addi %mul3A_289, %add3A_679 : i32
      %sub3A_681 = arith.constant 1 : i32
      %sub3A_682 = arith.subi %mul3A_253, %sub3A_681 : i32
      %sub3A_683 = arith.subi %sub3A_682, %add3A_680 : i32
      %mul3A_684 = arith.constant 16 : i32
      %mul3A_685 = arith.muli %add3A_680, %mul3A_684 : i32
      %get3A_686 = arith.index_cast %mul3A_685 : i32 to index
      %get3A_687 = arith.constant 0 : index
      %get3A_688 = vector.load %arg15[%get3A_686, %get3A_687] : memref<8192x768xf32, #tpu.memory_space<vmem>>, vector<16x384xf32>
      %mul3A_689 = arith.constant 16 : i32
      %mul3A_690 = arith.muli %sub3A_683, %mul3A_689 : i32
      %get3A_691 = arith.index_cast %mul3A_690 : i32 to index
      %get3A_692 = arith.constant 384 : index
      %get3A_693 = vector.load %arg15[%get3A_691, %get3A_692] : memref<8192x768xf32, #tpu.memory_space<vmem>>, vector<16x384xf32>
      %convert_element_type3A_694 = arith.truncf %add3A_634 : vector<16x128xf32> to vector<16x128xbf16>
      %dot_general3A_695 = arith.constant dense<0.000000e+00> : vector<16x384xf32>
      %dot_general3A_696 = tpu.matmul %convert_element_type3A_694, %convert_element_type3A_187, %dot_general3A_695 {dimension_numbers = #tpu.dot_dimension_numbers<[1], [0], [0], [1], [0, 0, 1, 1], [], []>, transpose_lhs_hint = false} : vector<16x128xbf16>, vector<128x384xbf16>, vector<16x384xf32> -> vector<16x384xf32>
      %convert_element_type3A_697 = arith.truncf %select_n3A_672 : vector<16x128xf32> to vector<16x128xbf16>
      %dot_general3A_698 = arith.constant dense<0.000000e+00> : vector<16x384xf32>
      %dot_general3A_699 = tpu.matmul %convert_element_type3A_697, %convert_element_type3A_199, %dot_general3A_698 {dimension_numbers = #tpu.dot_dimension_numbers<[1], [0], [0], [1], [0, 0, 1, 1], [], []>, transpose_lhs_hint = false} : vector<16x128xbf16>, vector<128x384xbf16>, vector<16x384xf32> -> vector<16x384xf32>
      %slice3A_700 = vector.extract_strided_slice %get3A_688 {offsets = [0, 0], sizes = [16, 128], strides = [1, 1]} : vector<16x384xf32> to vector<16x128xf32>
      %slice3A_701 = vector.extract_strided_slice %dot_general3A_696 {offsets = [0, 0], sizes = [16, 128], strides = [1, 1]} : vector<16x384xf32> to vector<16x128xf32>
      %add3A_702 = arith.addf %slice3A_700, %slice3A_701 : vector<16x128xf32>
      %tanh3A_703 = math.tanh %add3A_702 : vector<16x128xf32>
      %slice3A_704 = vector.extract_strided_slice %get3A_688 {offsets = [0, 256], sizes = [16, 128], strides = [1, 1]} : vector<16x384xf32> to vector<16x128xf32>
      %slice3A_705 = vector.extract_strided_slice %dot_general3A_696 {offsets = [0, 256], sizes = [16, 128], strides = [1, 1]} : vector<16x384xf32> to vector<16x128xf32>
      %add3A_706 = arith.addf %slice3A_704, %slice3A_705 : vector<16x128xf32>
      %tanh3A_707 = math.tanh %add3A_706 : vector<16x128xf32>
      %slice3A_708 = vector.extract_strided_slice %get3A_688 {offsets = [0, 128], sizes = [16, 128], strides = [1, 1]} : vector<16x384xf32> to vector<16x128xf32>
      %add3A_709 = arith.constant 1.000000e+00 : f32
      %add3A_710 = vector.broadcast %add3A_709 : f32 to vector<16x128xf32>
      %add3A_711 = arith.addf %tanh3A_703, %add3A_710 : vector<16x128xf32>
      %slice3A_712 = vector.extract_strided_slice %dot_general3A_696 {offsets = [0, 128], sizes = [16, 128], strides = [1, 1]} : vector<16x384xf32> to vector<16x128xf32>
      %add3A_713 = vector.broadcast %mul3A_210 : vector<1x128xf32> to vector<16x128xf32>
      %add3A_714 = arith.addf %slice3A_712, %add3A_713 : vector<16x128xf32>
      %mul3A_715 = arith.mulf %add3A_711, %add3A_714 : vector<16x128xf32>
      %add3A_716 = arith.addf %slice3A_708, %mul3A_715 : vector<16x128xf32>
      %tanh3A_717 = math.tanh %add3A_716 : vector<16x128xf32>
      %mul3A_718 = arith.constant 5.000000e-01 : f32
      %mul3A_719 = vector.broadcast %mul3A_718 : f32 to vector<16x128xf32>
      %mul3A_720 = arith.mulf %mul3A_719, %tanh3A_707 : vector<16x128xf32>
      %sub3A_721 = arith.constant 5.000000e-01 : f32
      %sub3A_722 = vector.broadcast %sub3A_721 : f32 to vector<16x128xf32>
      %sub3A_723 = arith.subf %sub3A_722, %mul3A_720 : vector<16x128xf32>
      %mul3A_724 = arith.constant 5.000000e-01 : f32
      %mul3A_725 = vector.broadcast %mul3A_724 : f32 to vector<16x128xf32>
      %mul3A_726 = arith.mulf %mul3A_725, %tanh3A_707 : vector<16x128xf32>
      %add3A_727 = arith.constant 5.000000e-01 : f32
      %add3A_728 = vector.broadcast %add3A_727 : f32 to vector<16x128xf32>
      %add3A_729 = arith.addf %add3A_728, %mul3A_726 : vector<16x128xf32>
      %mul3A_730 = arith.mulf %sub3A_723, %tanh3A_717 : vector<16x128xf32>
      %mul3A_731 = arith.mulf %add3A_729, %add3A_634 : vector<16x128xf32>
      %add3A_732 = arith.addf %mul3A_730, %mul3A_731 : vector<16x128xf32>
      %slice3A_733 = vector.extract_strided_slice %get3A_693 {offsets = [0, 0], sizes = [16, 128], strides = [1, 1]} : vector<16x384xf32> to vector<16x128xf32>
      %slice3A_734 = vector.extract_strided_slice %dot_general3A_699 {offsets = [0, 0], sizes = [16, 128], strides = [1, 1]} : vector<16x384xf32> to vector<16x128xf32>
      %add3A_735 = arith.addf %slice3A_733, %slice3A_734 : vector<16x128xf32>
      %tanh3A_736 = math.tanh %add3A_735 : vector<16x128xf32>
      %slice3A_737 = vector.extract_strided_slice %get3A_693 {offsets = [0, 256], sizes = [16, 128], strides = [1, 1]} : vector<16x384xf32> to vector<16x128xf32>
      %slice3A_738 = vector.extract_strided_slice %dot_general3A_699 {offsets = [0, 256], sizes = [16, 128], strides = [1, 1]} : vector<16x384xf32> to vector<16x128xf32>
      %add3A_739 = arith.addf %slice3A_737, %slice3A_738 : vector<16x128xf32>
      %tanh3A_740 = math.tanh %add3A_739 : vector<16x128xf32>
      %slice3A_741 = vector.extract_strided_slice %get3A_693 {offsets = [0, 128], sizes = [16, 128], strides = [1, 1]} : vector<16x384xf32> to vector<16x128xf32>
      %add3A_742 = arith.constant 1.000000e+00 : f32
      %add3A_743 = vector.broadcast %add3A_742 : f32 to vector<16x128xf32>
      %add3A_744 = arith.addf %tanh3A_736, %add3A_743 : vector<16x128xf32>
      %slice3A_745 = vector.extract_strided_slice %dot_general3A_699 {offsets = [0, 128], sizes = [16, 128], strides = [1, 1]} : vector<16x384xf32> to vector<16x128xf32>
      %add3A_746 = vector.broadcast %mul3A_221 : vector<1x128xf32> to vector<16x128xf32>
      %add3A_747 = arith.addf %slice3A_745, %add3A_746 : vector<16x128xf32>
      %mul3A_748 = arith.mulf %add3A_744, %add3A_747 : vector<16x128xf32>
      %add3A_749 = arith.addf %slice3A_741, %mul3A_748 : vector<16x128xf32>
      %tanh3A_750 = math.tanh %add3A_749 : vector<16x128xf32>
      %mul3A_751 = arith.constant 5.000000e-01 : f32
      %mul3A_752 = vector.broadcast %mul3A_751 : f32 to vector<16x128xf32>
      %mul3A_753 = arith.mulf %mul3A_752, %tanh3A_740 : vector<16x128xf32>
      %sub3A_754 = arith.constant 5.000000e-01 : f32
      %sub3A_755 = vector.broadcast %sub3A_754 : f32 to vector<16x128xf32>
      %sub3A_756 = arith.subf %sub3A_755, %mul3A_753 : vector<16x128xf32>
      %mul3A_757 = arith.constant 5.000000e-01 : f32
      %mul3A_758 = vector.broadcast %mul3A_757 : f32 to vector<16x128xf32>
      %mul3A_759 = arith.mulf %mul3A_758, %tanh3A_740 : vector<16x128xf32>
      %add3A_760 = arith.constant 5.000000e-01 : f32
      %add3A_761 = vector.broadcast %add3A_760 : f32 to vector<16x128xf32>
      %add3A_762 = arith.addf %add3A_761, %mul3A_759 : vector<16x128xf32>
      %mul3A_763 = arith.mulf %sub3A_756, %tanh3A_750 : vector<16x128xf32>
      %mul3A_764 = arith.mulf %add3A_762, %select_n3A_672 : vector<16x128xf32>
      %add3A_765 = arith.addf %mul3A_763, %mul3A_764 : vector<16x128xf32>
      %lt3A_766 = vector.broadcast %add3A_680 : i32 to vector<16x128xi32>
      %lt3A_767 = arith.cmpi slt, %lt3A_766, %broadcast_in_dim3A_226 : vector<16x128xi32>
      %lt3A_768 = vector.broadcast %sub3A_683 : i32 to vector<16x128xi32>
      %lt3A_769 = arith.cmpi slt, %lt3A_768, %broadcast_in_dim3A_226 : vector<16x128xi32>
      %select_n3A_770 = arith.select %lt3A_769, %add3A_765, %select_n3A_672 : vector<16x128xi1>, vector<16x128xf32>
      %broadcast_in_dim3A_771 = vector.broadcast %while3A : f32 to vector<16x128xf32>
      %select_n3A_772 = arith.select %lt3A_767, %add3A_732, %broadcast_in_dim3A_771 : vector<16x128xi1>, vector<16x128xf32>
      %max3A_773 = arith.maximumf %max3A_675, %select_n3A_772 : vector<16x128xf32>
      %broadcast_in_dim3A_774 = vector.broadcast %while3A : f32 to vector<16x128xf32>
      %select_n3A_775 = arith.select %lt3A_769, %select_n3A_770, %broadcast_in_dim3A_774 : vector<16x128xi1>, vector<16x128xf32>
      %max3A_776 = arith.maximumf %max3A_678, %select_n3A_775 : vector<16x128xf32>
      %add3A_777 = arith.constant 5 : i32
      %add3A_778 = arith.addi %mul3A_289, %add3A_777 : i32
      %sub3A_779 = arith.constant 1 : i32
      %sub3A_780 = arith.subi %mul3A_253, %sub3A_779 : i32
      %sub3A_781 = arith.subi %sub3A_780, %add3A_778 : i32
      %mul3A_782 = arith.constant 16 : i32
      %mul3A_783 = arith.muli %add3A_778, %mul3A_782 : i32
      %get3A_784 = arith.index_cast %mul3A_783 : i32 to index
      %get3A_785 = arith.constant 0 : index
      %get3A_786 = vector.load %arg15[%get3A_784, %get3A_785] : memref<8192x768xf32, #tpu.memory_space<vmem>>, vector<16x384xf32>
      %mul3A_787 = arith.constant 16 : i32
      %mul3A_788 = arith.muli %sub3A_781, %mul3A_787 : i32
      %get3A_789 = arith.index_cast %mul3A_788 : i32 to index
      %get3A_790 = arith.constant 384 : index
      %get3A_791 = vector.load %arg15[%get3A_789, %get3A_790] : memref<8192x768xf32, #tpu.memory_space<vmem>>, vector<16x384xf32>
      %convert_element_type3A_792 = arith.truncf %add3A_732 : vector<16x128xf32> to vector<16x128xbf16>
      %dot_general3A_793 = arith.constant dense<0.000000e+00> : vector<16x384xf32>
      %dot_general3A_794 = tpu.matmul %convert_element_type3A_792, %convert_element_type3A_187, %dot_general3A_793 {dimension_numbers = #tpu.dot_dimension_numbers<[1], [0], [0], [1], [0, 0, 1, 1], [], []>, transpose_lhs_hint = false} : vector<16x128xbf16>, vector<128x384xbf16>, vector<16x384xf32> -> vector<16x384xf32>
      %convert_element_type3A_795 = arith.truncf %select_n3A_770 : vector<16x128xf32> to vector<16x128xbf16>
      %dot_general3A_796 = arith.constant dense<0.000000e+00> : vector<16x384xf32>
      %dot_general3A_797 = tpu.matmul %convert_element_type3A_795, %convert_element_type3A_199, %dot_general3A_796 {dimension_numbers = #tpu.dot_dimension_numbers<[1], [0], [0], [1], [0, 0, 1, 1], [], []>, transpose_lhs_hint = false} : vector<16x128xbf16>, vector<128x384xbf16>, vector<16x384xf32> -> vector<16x384xf32>
      %slice3A_798 = vector.extract_strided_slice %get3A_786 {offsets = [0, 0], sizes = [16, 128], strides = [1, 1]} : vector<16x384xf32> to vector<16x128xf32>
      %slice3A_799 = vector.extract_strided_slice %dot_general3A_794 {offsets = [0, 0], sizes = [16, 128], strides = [1, 1]} : vector<16x384xf32> to vector<16x128xf32>
      %add3A_800 = arith.addf %slice3A_798, %slice3A_799 : vector<16x128xf32>
      %tanh3A_801 = math.tanh %add3A_800 : vector<16x128xf32>
      %slice3A_802 = vector.extract_strided_slice %get3A_786 {offsets = [0, 256], sizes = [16, 128], strides = [1, 1]} : vector<16x384xf32> to vector<16x128xf32>
      %slice3A_803 = vector.extract_strided_slice %dot_general3A_794 {offsets = [0, 256], sizes = [16, 128], strides = [1, 1]} : vector<16x384xf32> to vector<16x128xf32>
      %add3A_804 = arith.addf %slice3A_802, %slice3A_803 : vector<16x128xf32>
      %tanh3A_805 = math.tanh %add3A_804 : vector<16x128xf32>
      %slice3A_806 = vector.extract_strided_slice %get3A_786 {offsets = [0, 128], sizes = [16, 128], strides = [1, 1]} : vector<16x384xf32> to vector<16x128xf32>
      %add3A_807 = arith.constant 1.000000e+00 : f32
      %add3A_808 = vector.broadcast %add3A_807 : f32 to vector<16x128xf32>
      %add3A_809 = arith.addf %tanh3A_801, %add3A_808 : vector<16x128xf32>
      %slice3A_810 = vector.extract_strided_slice %dot_general3A_794 {offsets = [0, 128], sizes = [16, 128], strides = [1, 1]} : vector<16x384xf32> to vector<16x128xf32>
      %add3A_811 = vector.broadcast %mul3A_210 : vector<1x128xf32> to vector<16x128xf32>
      %add3A_812 = arith.addf %slice3A_810, %add3A_811 : vector<16x128xf32>
      %mul3A_813 = arith.mulf %add3A_809, %add3A_812 : vector<16x128xf32>
      %add3A_814 = arith.addf %slice3A_806, %mul3A_813 : vector<16x128xf32>
      %tanh3A_815 = math.tanh %add3A_814 : vector<16x128xf32>
      %mul3A_816 = arith.constant 5.000000e-01 : f32
      %mul3A_817 = vector.broadcast %mul3A_816 : f32 to vector<16x128xf32>
      %mul3A_818 = arith.mulf %mul3A_817, %tanh3A_805 : vector<16x128xf32>
      %sub3A_819 = arith.constant 5.000000e-01 : f32
      %sub3A_820 = vector.broadcast %sub3A_819 : f32 to vector<16x128xf32>
      %sub3A_821 = arith.subf %sub3A_820, %mul3A_818 : vector<16x128xf32>
      %mul3A_822 = arith.constant 5.000000e-01 : f32
      %mul3A_823 = vector.broadcast %mul3A_822 : f32 to vector<16x128xf32>
      %mul3A_824 = arith.mulf %mul3A_823, %tanh3A_805 : vector<16x128xf32>
      %add3A_825 = arith.constant 5.000000e-01 : f32
      %add3A_826 = vector.broadcast %add3A_825 : f32 to vector<16x128xf32>
      %add3A_827 = arith.addf %add3A_826, %mul3A_824 : vector<16x128xf32>
      %mul3A_828 = arith.mulf %sub3A_821, %tanh3A_815 : vector<16x128xf32>
      %mul3A_829 = arith.mulf %add3A_827, %add3A_732 : vector<16x128xf32>
      %add3A_830 = arith.addf %mul3A_828, %mul3A_829 : vector<16x128xf32>
      %slice3A_831 = vector.extract_strided_slice %get3A_791 {offsets = [0, 0], sizes = [16, 128], strides = [1, 1]} : vector<16x384xf32> to vector<16x128xf32>
      %slice3A_832 = vector.extract_strided_slice %dot_general3A_797 {offsets = [0, 0], sizes = [16, 128], strides = [1, 1]} : vector<16x384xf32> to vector<16x128xf32>
      %add3A_833 = arith.addf %slice3A_831, %slice3A_832 : vector<16x128xf32>
      %tanh3A_834 = math.tanh %add3A_833 : vector<16x128xf32>
      %slice3A_835 = vector.extract_strided_slice %get3A_791 {offsets = [0, 256], sizes = [16, 128], strides = [1, 1]} : vector<16x384xf32> to vector<16x128xf32>
      %slice3A_836 = vector.extract_strided_slice %dot_general3A_797 {offsets = [0, 256], sizes = [16, 128], strides = [1, 1]} : vector<16x384xf32> to vector<16x128xf32>
      %add3A_837 = arith.addf %slice3A_835, %slice3A_836 : vector<16x128xf32>
      %tanh3A_838 = math.tanh %add3A_837 : vector<16x128xf32>
      %slice3A_839 = vector.extract_strided_slice %get3A_791 {offsets = [0, 128], sizes = [16, 128], strides = [1, 1]} : vector<16x384xf32> to vector<16x128xf32>
      %add3A_840 = arith.constant 1.000000e+00 : f32
      %add3A_841 = vector.broadcast %add3A_840 : f32 to vector<16x128xf32>
      %add3A_842 = arith.addf %tanh3A_834, %add3A_841 : vector<16x128xf32>
      %slice3A_843 = vector.extract_strided_slice %dot_general3A_797 {offsets = [0, 128], sizes = [16, 128], strides = [1, 1]} : vector<16x384xf32> to vector<16x128xf32>
      %add3A_844 = vector.broadcast %mul3A_221 : vector<1x128xf32> to vector<16x128xf32>
      %add3A_845 = arith.addf %slice3A_843, %add3A_844 : vector<16x128xf32>
      %mul3A_846 = arith.mulf %add3A_842, %add3A_845 : vector<16x128xf32>
      %add3A_847 = arith.addf %slice3A_839, %mul3A_846 : vector<16x128xf32>
      %tanh3A_848 = math.tanh %add3A_847 : vector<16x128xf32>
      %mul3A_849 = arith.constant 5.000000e-01 : f32
      %mul3A_850 = vector.broadcast %mul3A_849 : f32 to vector<16x128xf32>
      %mul3A_851 = arith.mulf %mul3A_850, %tanh3A_838 : vector<16x128xf32>
      %sub3A_852 = arith.constant 5.000000e-01 : f32
      %sub3A_853 = vector.broadcast %sub3A_852 : f32 to vector<16x128xf32>
      %sub3A_854 = arith.subf %sub3A_853, %mul3A_851 : vector<16x128xf32>
      %mul3A_855 = arith.constant 5.000000e-01 : f32
      %mul3A_856 = vector.broadcast %mul3A_855 : f32 to vector<16x128xf32>
      %mul3A_857 = arith.mulf %mul3A_856, %tanh3A_838 : vector<16x128xf32>
      %add3A_858 = arith.constant 5.000000e-01 : f32
      %add3A_859 = vector.broadcast %add3A_858 : f32 to vector<16x128xf32>
      %add3A_860 = arith.addf %add3A_859, %mul3A_857 : vector<16x128xf32>
      %mul3A_861 = arith.mulf %sub3A_854, %tanh3A_848 : vector<16x128xf32>
      %mul3A_862 = arith.mulf %add3A_860, %select_n3A_770 : vector<16x128xf32>
      %add3A_863 = arith.addf %mul3A_861, %mul3A_862 : vector<16x128xf32>
      %lt3A_864 = vector.broadcast %add3A_778 : i32 to vector<16x128xi32>
      %lt3A_865 = arith.cmpi slt, %lt3A_864, %broadcast_in_dim3A_226 : vector<16x128xi32>
      %lt3A_866 = vector.broadcast %sub3A_781 : i32 to vector<16x128xi32>
      %lt3A_867 = arith.cmpi slt, %lt3A_866, %broadcast_in_dim3A_226 : vector<16x128xi32>
      %select_n3A_868 = arith.select %lt3A_867, %add3A_863, %select_n3A_770 : vector<16x128xi1>, vector<16x128xf32>
      %broadcast_in_dim3A_869 = vector.broadcast %while3A : f32 to vector<16x128xf32>
      %select_n3A_870 = arith.select %lt3A_865, %add3A_830, %broadcast_in_dim3A_869 : vector<16x128xi1>, vector<16x128xf32>
      %max3A_871 = arith.maximumf %max3A_773, %select_n3A_870 : vector<16x128xf32>
      %broadcast_in_dim3A_872 = vector.broadcast %while3A : f32 to vector<16x128xf32>
      %select_n3A_873 = arith.select %lt3A_867, %select_n3A_868, %broadcast_in_dim3A_872 : vector<16x128xi1>, vector<16x128xf32>
      %max3A_874 = arith.maximumf %max3A_776, %select_n3A_873 : vector<16x128xf32>
      %add3A_875 = arith.constant 6 : i32
      %add3A_876 = arith.addi %mul3A_289, %add3A_875 : i32
      %sub3A_877 = arith.constant 1 : i32
      %sub3A_878 = arith.subi %mul3A_253, %sub3A_877 : i32
      %sub3A_879 = arith.subi %sub3A_878, %add3A_876 : i32
      %mul3A_880 = arith.constant 16 : i32
      %mul3A_881 = arith.muli %add3A_876, %mul3A_880 : i32
      %get3A_882 = arith.index_cast %mul3A_881 : i32 to index
      %get3A_883 = arith.constant 0 : index
      %get3A_884 = vector.load %arg15[%get3A_882, %get3A_883] : memref<8192x768xf32, #tpu.memory_space<vmem>>, vector<16x384xf32>
      %mul3A_885 = arith.constant 16 : i32
      %mul3A_886 = arith.muli %sub3A_879, %mul3A_885 : i32
      %get3A_887 = arith.index_cast %mul3A_886 : i32 to index
      %get3A_888 = arith.constant 384 : index
      %get3A_889 = vector.load %arg15[%get3A_887, %get3A_888] : memref<8192x768xf32, #tpu.memory_space<vmem>>, vector<16x384xf32>
      %convert_element_type3A_890 = arith.truncf %add3A_830 : vector<16x128xf32> to vector<16x128xbf16>
      %dot_general3A_891 = arith.constant dense<0.000000e+00> : vector<16x384xf32>
      %dot_general3A_892 = tpu.matmul %convert_element_type3A_890, %convert_element_type3A_187, %dot_general3A_891 {dimension_numbers = #tpu.dot_dimension_numbers<[1], [0], [0], [1], [0, 0, 1, 1], [], []>, transpose_lhs_hint = false} : vector<16x128xbf16>, vector<128x384xbf16>, vector<16x384xf32> -> vector<16x384xf32>
      %convert_element_type3A_893 = arith.truncf %select_n3A_868 : vector<16x128xf32> to vector<16x128xbf16>
      %dot_general3A_894 = arith.constant dense<0.000000e+00> : vector<16x384xf32>
      %dot_general3A_895 = tpu.matmul %convert_element_type3A_893, %convert_element_type3A_199, %dot_general3A_894 {dimension_numbers = #tpu.dot_dimension_numbers<[1], [0], [0], [1], [0, 0, 1, 1], [], []>, transpose_lhs_hint = false} : vector<16x128xbf16>, vector<128x384xbf16>, vector<16x384xf32> -> vector<16x384xf32>
      %slice3A_896 = vector.extract_strided_slice %get3A_884 {offsets = [0, 0], sizes = [16, 128], strides = [1, 1]} : vector<16x384xf32> to vector<16x128xf32>
      %slice3A_897 = vector.extract_strided_slice %dot_general3A_892 {offsets = [0, 0], sizes = [16, 128], strides = [1, 1]} : vector<16x384xf32> to vector<16x128xf32>
      %add3A_898 = arith.addf %slice3A_896, %slice3A_897 : vector<16x128xf32>
      %tanh3A_899 = math.tanh %add3A_898 : vector<16x128xf32>
      %slice3A_900 = vector.extract_strided_slice %get3A_884 {offsets = [0, 256], sizes = [16, 128], strides = [1, 1]} : vector<16x384xf32> to vector<16x128xf32>
      %slice3A_901 = vector.extract_strided_slice %dot_general3A_892 {offsets = [0, 256], sizes = [16, 128], strides = [1, 1]} : vector<16x384xf32> to vector<16x128xf32>
      %add3A_902 = arith.addf %slice3A_900, %slice3A_901 : vector<16x128xf32>
      %tanh3A_903 = math.tanh %add3A_902 : vector<16x128xf32>
      %slice3A_904 = vector.extract_strided_slice %get3A_884 {offsets = [0, 128], sizes = [16, 128], strides = [1, 1]} : vector<16x384xf32> to vector<16x128xf32>
      %add3A_905 = arith.constant 1.000000e+00 : f32
      %add3A_906 = vector.broadcast %add3A_905 : f32 to vector<16x128xf32>
      %add3A_907 = arith.addf %tanh3A_899, %add3A_906 : vector<16x128xf32>
      %slice3A_908 = vector.extract_strided_slice %dot_general3A_892 {offsets = [0, 128], sizes = [16, 128], strides = [1, 1]} : vector<16x384xf32> to vector<16x128xf32>
      %add3A_909 = vector.broadcast %mul3A_210 : vector<1x128xf32> to vector<16x128xf32>
      %add3A_910 = arith.addf %slice3A_908, %add3A_909 : vector<16x128xf32>
      %mul3A_911 = arith.mulf %add3A_907, %add3A_910 : vector<16x128xf32>
      %add3A_912 = arith.addf %slice3A_904, %mul3A_911 : vector<16x128xf32>
      %tanh3A_913 = math.tanh %add3A_912 : vector<16x128xf32>
      %mul3A_914 = arith.constant 5.000000e-01 : f32
      %mul3A_915 = vector.broadcast %mul3A_914 : f32 to vector<16x128xf32>
      %mul3A_916 = arith.mulf %mul3A_915, %tanh3A_903 : vector<16x128xf32>
      %sub3A_917 = arith.constant 5.000000e-01 : f32
      %sub3A_918 = vector.broadcast %sub3A_917 : f32 to vector<16x128xf32>
      %sub3A_919 = arith.subf %sub3A_918, %mul3A_916 : vector<16x128xf32>
      %mul3A_920 = arith.constant 5.000000e-01 : f32
      %mul3A_921 = vector.broadcast %mul3A_920 : f32 to vector<16x128xf32>
      %mul3A_922 = arith.mulf %mul3A_921, %tanh3A_903 : vector<16x128xf32>
      %add3A_923 = arith.constant 5.000000e-01 : f32
      %add3A_924 = vector.broadcast %add3A_923 : f32 to vector<16x128xf32>
      %add3A_925 = arith.addf %add3A_924, %mul3A_922 : vector<16x128xf32>
      %mul3A_926 = arith.mulf %sub3A_919, %tanh3A_913 : vector<16x128xf32>
      %mul3A_927 = arith.mulf %add3A_925, %add3A_830 : vector<16x128xf32>
      %add3A_928 = arith.addf %mul3A_926, %mul3A_927 : vector<16x128xf32>
      %slice3A_929 = vector.extract_strided_slice %get3A_889 {offsets = [0, 0], sizes = [16, 128], strides = [1, 1]} : vector<16x384xf32> to vector<16x128xf32>
      %slice3A_930 = vector.extract_strided_slice %dot_general3A_895 {offsets = [0, 0], sizes = [16, 128], strides = [1, 1]} : vector<16x384xf32> to vector<16x128xf32>
      %add3A_931 = arith.addf %slice3A_929, %slice3A_930 : vector<16x128xf32>
      %tanh3A_932 = math.tanh %add3A_931 : vector<16x128xf32>
      %slice3A_933 = vector.extract_strided_slice %get3A_889 {offsets = [0, 256], sizes = [16, 128], strides = [1, 1]} : vector<16x384xf32> to vector<16x128xf32>
      %slice3A_934 = vector.extract_strided_slice %dot_general3A_895 {offsets = [0, 256], sizes = [16, 128], strides = [1, 1]} : vector<16x384xf32> to vector<16x128xf32>
      %add3A_935 = arith.addf %slice3A_933, %slice3A_934 : vector<16x128xf32>
      %tanh3A_936 = math.tanh %add3A_935 : vector<16x128xf32>
      %slice3A_937 = vector.extract_strided_slice %get3A_889 {offsets = [0, 128], sizes = [16, 128], strides = [1, 1]} : vector<16x384xf32> to vector<16x128xf32>
      %add3A_938 = arith.constant 1.000000e+00 : f32
      %add3A_939 = vector.broadcast %add3A_938 : f32 to vector<16x128xf32>
      %add3A_940 = arith.addf %tanh3A_932, %add3A_939 : vector<16x128xf32>
      %slice3A_941 = vector.extract_strided_slice %dot_general3A_895 {offsets = [0, 128], sizes = [16, 128], strides = [1, 1]} : vector<16x384xf32> to vector<16x128xf32>
      %add3A_942 = vector.broadcast %mul3A_221 : vector<1x128xf32> to vector<16x128xf32>
      %add3A_943 = arith.addf %slice3A_941, %add3A_942 : vector<16x128xf32>
      %mul3A_944 = arith.mulf %add3A_940, %add3A_943 : vector<16x128xf32>
      %add3A_945 = arith.addf %slice3A_937, %mul3A_944 : vector<16x128xf32>
      %tanh3A_946 = math.tanh %add3A_945 : vector<16x128xf32>
      %mul3A_947 = arith.constant 5.000000e-01 : f32
      %mul3A_948 = vector.broadcast %mul3A_947 : f32 to vector<16x128xf32>
      %mul3A_949 = arith.mulf %mul3A_948, %tanh3A_936 : vector<16x128xf32>
      %sub3A_950 = arith.constant 5.000000e-01 : f32
      %sub3A_951 = vector.broadcast %sub3A_950 : f32 to vector<16x128xf32>
      %sub3A_952 = arith.subf %sub3A_951, %mul3A_949 : vector<16x128xf32>
      %mul3A_953 = arith.constant 5.000000e-01 : f32
      %mul3A_954 = vector.broadcast %mul3A_953 : f32 to vector<16x128xf32>
      %mul3A_955 = arith.mulf %mul3A_954, %tanh3A_936 : vector<16x128xf32>
      %add3A_956 = arith.constant 5.000000e-01 : f32
      %add3A_957 = vector.broadcast %add3A_956 : f32 to vector<16x128xf32>
      %add3A_958 = arith.addf %add3A_957, %mul3A_955 : vector<16x128xf32>
      %mul3A_959 = arith.mulf %sub3A_952, %tanh3A_946 : vector<16x128xf32>
      %mul3A_960 = arith.mulf %add3A_958, %select_n3A_868 : vector<16x128xf32>
      %add3A_961 = arith.addf %mul3A_959, %mul3A_960 : vector<16x128xf32>
      %lt3A_962 = vector.broadcast %add3A_876 : i32 to vector<16x128xi32>
      %lt3A_963 = arith.cmpi slt, %lt3A_962, %broadcast_in_dim3A_226 : vector<16x128xi32>
      %lt3A_964 = vector.broadcast %sub3A_879 : i32 to vector<16x128xi32>
      %lt3A_965 = arith.cmpi slt, %lt3A_964, %broadcast_in_dim3A_226 : vector<16x128xi32>
      %select_n3A_966 = arith.select %lt3A_965, %add3A_961, %select_n3A_868 : vector<16x128xi1>, vector<16x128xf32>
      %broadcast_in_dim3A_967 = vector.broadcast %while3A : f32 to vector<16x128xf32>
      %select_n3A_968 = arith.select %lt3A_963, %add3A_928, %broadcast_in_dim3A_967 : vector<16x128xi1>, vector<16x128xf32>
      %max3A_969 = arith.maximumf %max3A_871, %select_n3A_968 : vector<16x128xf32>
      %broadcast_in_dim3A_970 = vector.broadcast %while3A : f32 to vector<16x128xf32>
      %select_n3A_971 = arith.select %lt3A_965, %select_n3A_966, %broadcast_in_dim3A_970 : vector<16x128xi1>, vector<16x128xf32>
      %max3A_972 = arith.maximumf %max3A_874, %select_n3A_971 : vector<16x128xf32>
      %add3A_973 = arith.constant 7 : i32
      %add3A_974 = arith.addi %mul3A_289, %add3A_973 : i32
      %sub3A_975 = arith.constant 1 : i32
      %sub3A_976 = arith.subi %mul3A_253, %sub3A_975 : i32
      %sub3A_977 = arith.subi %sub3A_976, %add3A_974 : i32
      %mul3A_978 = arith.constant 16 : i32
      %mul3A_979 = arith.muli %add3A_974, %mul3A_978 : i32
      %get3A_980 = arith.index_cast %mul3A_979 : i32 to index
      %get3A_981 = arith.constant 0 : index
      %get3A_982 = vector.load %arg15[%get3A_980, %get3A_981] : memref<8192x768xf32, #tpu.memory_space<vmem>>, vector<16x384xf32>
      %mul3A_983 = arith.constant 16 : i32
      %mul3A_984 = arith.muli %sub3A_977, %mul3A_983 : i32
      %get3A_985 = arith.index_cast %mul3A_984 : i32 to index
      %get3A_986 = arith.constant 384 : index
      %get3A_987 = vector.load %arg15[%get3A_985, %get3A_986] : memref<8192x768xf32, #tpu.memory_space<vmem>>, vector<16x384xf32>
      %convert_element_type3A_988 = arith.truncf %add3A_928 : vector<16x128xf32> to vector<16x128xbf16>
      %dot_general3A_989 = arith.constant dense<0.000000e+00> : vector<16x384xf32>
      %dot_general3A_990 = tpu.matmul %convert_element_type3A_988, %convert_element_type3A_187, %dot_general3A_989 {dimension_numbers = #tpu.dot_dimension_numbers<[1], [0], [0], [1], [0, 0, 1, 1], [], []>, transpose_lhs_hint = false} : vector<16x128xbf16>, vector<128x384xbf16>, vector<16x384xf32> -> vector<16x384xf32>
      %convert_element_type3A_991 = arith.truncf %select_n3A_966 : vector<16x128xf32> to vector<16x128xbf16>
      %dot_general3A_992 = arith.constant dense<0.000000e+00> : vector<16x384xf32>
      %dot_general3A_993 = tpu.matmul %convert_element_type3A_991, %convert_element_type3A_199, %dot_general3A_992 {dimension_numbers = #tpu.dot_dimension_numbers<[1], [0], [0], [1], [0, 0, 1, 1], [], []>, transpose_lhs_hint = false} : vector<16x128xbf16>, vector<128x384xbf16>, vector<16x384xf32> -> vector<16x384xf32>
      %slice3A_994 = vector.extract_strided_slice %get3A_982 {offsets = [0, 0], sizes = [16, 128], strides = [1, 1]} : vector<16x384xf32> to vector<16x128xf32>
      %slice3A_995 = vector.extract_strided_slice %dot_general3A_990 {offsets = [0, 0], sizes = [16, 128], strides = [1, 1]} : vector<16x384xf32> to vector<16x128xf32>
      %add3A_996 = arith.addf %slice3A_994, %slice3A_995 : vector<16x128xf32>
      %tanh3A_997 = math.tanh %add3A_996 : vector<16x128xf32>
      %slice3A_998 = vector.extract_strided_slice %get3A_982 {offsets = [0, 256], sizes = [16, 128], strides = [1, 1]} : vector<16x384xf32> to vector<16x128xf32>
      %slice3A_999 = vector.extract_strided_slice %dot_general3A_990 {offsets = [0, 256], sizes = [16, 128], strides = [1, 1]} : vector<16x384xf32> to vector<16x128xf32>
      %add3A_1000 = arith.addf %slice3A_998, %slice3A_999 : vector<16x128xf32>
      %tanh3A_1001 = math.tanh %add3A_1000 : vector<16x128xf32>
      %slice3A_1002 = vector.extract_strided_slice %get3A_982 {offsets = [0, 128], sizes = [16, 128], strides = [1, 1]} : vector<16x384xf32> to vector<16x128xf32>
      %add3A_1003 = arith.constant 1.000000e+00 : f32
      %add3A_1004 = vector.broadcast %add3A_1003 : f32 to vector<16x128xf32>
      %add3A_1005 = arith.addf %tanh3A_997, %add3A_1004 : vector<16x128xf32>
      %slice3A_1006 = vector.extract_strided_slice %dot_general3A_990 {offsets = [0, 128], sizes = [16, 128], strides = [1, 1]} : vector<16x384xf32> to vector<16x128xf32>
      %add3A_1007 = vector.broadcast %mul3A_210 : vector<1x128xf32> to vector<16x128xf32>
      %add3A_1008 = arith.addf %slice3A_1006, %add3A_1007 : vector<16x128xf32>
      %mul3A_1009 = arith.mulf %add3A_1005, %add3A_1008 : vector<16x128xf32>
      %add3A_1010 = arith.addf %slice3A_1002, %mul3A_1009 : vector<16x128xf32>
      %tanh3A_1011 = math.tanh %add3A_1010 : vector<16x128xf32>
      %mul3A_1012 = arith.constant 5.000000e-01 : f32
      %mul3A_1013 = vector.broadcast %mul3A_1012 : f32 to vector<16x128xf32>
      %mul3A_1014 = arith.mulf %mul3A_1013, %tanh3A_1001 : vector<16x128xf32>
      %sub3A_1015 = arith.constant 5.000000e-01 : f32
      %sub3A_1016 = vector.broadcast %sub3A_1015 : f32 to vector<16x128xf32>
      %sub3A_1017 = arith.subf %sub3A_1016, %mul3A_1014 : vector<16x128xf32>
      %mul3A_1018 = arith.constant 5.000000e-01 : f32
      %mul3A_1019 = vector.broadcast %mul3A_1018 : f32 to vector<16x128xf32>
      %mul3A_1020 = arith.mulf %mul3A_1019, %tanh3A_1001 : vector<16x128xf32>
      %add3A_1021 = arith.constant 5.000000e-01 : f32
      %add3A_1022 = vector.broadcast %add3A_1021 : f32 to vector<16x128xf32>
      %add3A_1023 = arith.addf %add3A_1022, %mul3A_1020 : vector<16x128xf32>
      %mul3A_1024 = arith.mulf %sub3A_1017, %tanh3A_1011 : vector<16x128xf32>
      %mul3A_1025 = arith.mulf %add3A_1023, %add3A_928 : vector<16x128xf32>
      %add3A_1026 = arith.addf %mul3A_1024, %mul3A_1025 : vector<16x128xf32>
      %slice3A_1027 = vector.extract_strided_slice %get3A_987 {offsets = [0, 0], sizes = [16, 128], strides = [1, 1]} : vector<16x384xf32> to vector<16x128xf32>
      %slice3A_1028 = vector.extract_strided_slice %dot_general3A_993 {offsets = [0, 0], sizes = [16, 128], strides = [1, 1]} : vector<16x384xf32> to vector<16x128xf32>
      %add3A_1029 = arith.addf %slice3A_1027, %slice3A_1028 : vector<16x128xf32>
      %tanh3A_1030 = math.tanh %add3A_1029 : vector<16x128xf32>
      %slice3A_1031 = vector.extract_strided_slice %get3A_987 {offsets = [0, 256], sizes = [16, 128], strides = [1, 1]} : vector<16x384xf32> to vector<16x128xf32>
      %slice3A_1032 = vector.extract_strided_slice %dot_general3A_993 {offsets = [0, 256], sizes = [16, 128], strides = [1, 1]} : vector<16x384xf32> to vector<16x128xf32>
      %add3A_1033 = arith.addf %slice3A_1031, %slice3A_1032 : vector<16x128xf32>
      %tanh3A_1034 = math.tanh %add3A_1033 : vector<16x128xf32>
      %slice3A_1035 = vector.extract_strided_slice %get3A_987 {offsets = [0, 128], sizes = [16, 128], strides = [1, 1]} : vector<16x384xf32> to vector<16x128xf32>
      %add3A_1036 = arith.constant 1.000000e+00 : f32
      %add3A_1037 = vector.broadcast %add3A_1036 : f32 to vector<16x128xf32>
      %add3A_1038 = arith.addf %tanh3A_1030, %add3A_1037 : vector<16x128xf32>
      %slice3A_1039 = vector.extract_strided_slice %dot_general3A_993 {offsets = [0, 128], sizes = [16, 128], strides = [1, 1]} : vector<16x384xf32> to vector<16x128xf32>
      %add3A_1040 = vector.broadcast %mul3A_221 : vector<1x128xf32> to vector<16x128xf32>
      %add3A_1041 = arith.addf %slice3A_1039, %add3A_1040 : vector<16x128xf32>
      %mul3A_1042 = arith.mulf %add3A_1038, %add3A_1041 : vector<16x128xf32>
      %add3A_1043 = arith.addf %slice3A_1035, %mul3A_1042 : vector<16x128xf32>
      %tanh3A_1044 = math.tanh %add3A_1043 : vector<16x128xf32>
      %mul3A_1045 = arith.constant 5.000000e-01 : f32
      %mul3A_1046 = vector.broadcast %mul3A_1045 : f32 to vector<16x128xf32>
      %mul3A_1047 = arith.mulf %mul3A_1046, %tanh3A_1034 : vector<16x128xf32>
      %sub3A_1048 = arith.constant 5.000000e-01 : f32
      %sub3A_1049 = vector.broadcast %sub3A_1048 : f32 to vector<16x128xf32>
      %sub3A_1050 = arith.subf %sub3A_1049, %mul3A_1047 : vector<16x128xf32>
      %mul3A_1051 = arith.constant 5.000000e-01 : f32
      %mul3A_1052 = vector.broadcast %mul3A_1051 : f32 to vector<16x128xf32>
      %mul3A_1053 = arith.mulf %mul3A_1052, %tanh3A_1034 : vector<16x128xf32>
      %add3A_1054 = arith.constant 5.000000e-01 : f32
      %add3A_1055 = vector.broadcast %add3A_1054 : f32 to vector<16x128xf32>
      %add3A_1056 = arith.addf %add3A_1055, %mul3A_1053 : vector<16x128xf32>
      %mul3A_1057 = arith.mulf %sub3A_1050, %tanh3A_1044 : vector<16x128xf32>
      %mul3A_1058 = arith.mulf %add3A_1056, %select_n3A_966 : vector<16x128xf32>
      %add3A_1059 = arith.addf %mul3A_1057, %mul3A_1058 : vector<16x128xf32>
      %lt3A_1060 = vector.broadcast %add3A_974 : i32 to vector<16x128xi32>
      %lt3A_1061 = arith.cmpi slt, %lt3A_1060, %broadcast_in_dim3A_226 : vector<16x128xi32>
      %lt3A_1062 = vector.broadcast %sub3A_977 : i32 to vector<16x128xi32>
      %lt3A_1063 = arith.cmpi slt, %lt3A_1062, %broadcast_in_dim3A_226 : vector<16x128xi32>
      %select_n3A_1064 = arith.select %lt3A_1063, %add3A_1059, %select_n3A_966 : vector<16x128xi1>, vector<16x128xf32>
      %broadcast_in_dim3A_1065 = vector.broadcast %while3A : f32 to vector<16x128xf32>
      %select_n3A_1066 = arith.select %lt3A_1061, %add3A_1026, %broadcast_in_dim3A_1065 : vector<16x128xi1>, vector<16x128xf32>
      %max3A_1067 = arith.maximumf %max3A_969, %select_n3A_1066 : vector<16x128xf32>
      %broadcast_in_dim3A_1068 = vector.broadcast %while3A : f32 to vector<16x128xf32>
      %select_n3A_1069 = arith.select %lt3A_1063, %select_n3A_1064, %broadcast_in_dim3A_1068 : vector<16x128xi1>, vector<16x128xf32>
      %max3A_1070 = arith.maximumf %max3A_972, %select_n3A_1069 : vector<16x128xf32>
      scf.yield %add3A_1026, %select_n3A_1064, %max3A_1067, %max3A_1070 : vector<16x128xf32>, vector<16x128xf32>, vector<16x128xf32>, vector<16x128xf32>
    }
    %while3A_267 = arith.constant 1 : i32
    %while3A_268:4 = scf.for %while3A_283 = %while3A_264 to %while3A_260 step %while3A_267 iter_args(%while3A_284 = %while3A_266#0, %while3A_285 = %while3A_266#1, %while3A_286 = %while3A_266#2, %while3A_287 = %while3A_266#3) -> (vector<16x128xf32>, vector<16x128xf32>, vector<16x128xf32>, vector<16x128xf32>)  : i32 {
      %mul3A_288 = arith.constant 8 : i32
      %mul3A_289 = arith.muli %while3A_283, %mul3A_288 : i32
      %add3A_290 = arith.constant 0 : i32
      %add3A_291 = arith.addi %mul3A_289, %add3A_290 : i32
      %sub3A_292 = arith.constant 1 : i32
      %sub3A_293 = arith.subi %mul3A_253, %sub3A_292 : i32
      %sub3A_294 = arith.subi %sub3A_293, %add3A_291 : i32
      %mul3A_295 = arith.constant 16 : i32
      %mul3A_296 = arith.muli %add3A_291, %mul3A_295 : i32
      %get3A_297 = arith.index_cast %mul3A_296 : i32 to index
      %get3A_298 = arith.constant 0 : index
      %get3A_299 = vector.load %arg15[%get3A_297, %get3A_298] : memref<8192x768xf32, #tpu.memory_space<vmem>>, vector<16x384xf32>
      %mul3A_300 = arith.constant 16 : i32
      %mul3A_301 = arith.muli %sub3A_294, %mul3A_300 : i32
      %get3A_302 = arith.index_cast %mul3A_301 : i32 to index
      %get3A_303 = arith.constant 384 : index
      %get3A_304 = vector.load %arg15[%get3A_302, %get3A_303] : memref<8192x768xf32, #tpu.memory_space<vmem>>, vector<16x384xf32>
      %convert_element_type3A_305 = arith.truncf %while3A_284 : vector<16x128xf32> to vector<16x128xbf16>
      %dot_general3A_306 = arith.constant dense<0.000000e+00> : vector<16x384xf32>
      %dot_general3A_307 = tpu.matmul %convert_element_type3A_305, %convert_element_type3A_187, %dot_general3A_306 {dimension_numbers = #tpu.dot_dimension_numbers<[1], [0], [0], [1], [0, 0, 1, 1], [], []>, transpose_lhs_hint = false} : vector<16x128xbf16>, vector<128x384xbf16>, vector<16x384xf32> -> vector<16x384xf32>
      %convert_element_type3A_308 = arith.truncf %while3A_285 : vector<16x128xf32> to vector<16x128xbf16>
      %dot_general3A_309 = arith.constant dense<0.000000e+00> : vector<16x384xf32>
      %dot_general3A_310 = tpu.matmul %convert_element_type3A_308, %convert_element_type3A_199, %dot_general3A_309 {dimension_numbers = #tpu.dot_dimension_numbers<[1], [0], [0], [1], [0, 0, 1, 1], [], []>, transpose_lhs_hint = false} : vector<16x128xbf16>, vector<128x384xbf16>, vector<16x384xf32> -> vector<16x384xf32>
      %slice3A_311 = vector.extract_strided_slice %get3A_299 {offsets = [0, 0], sizes = [16, 128], strides = [1, 1]} : vector<16x384xf32> to vector<16x128xf32>
      %slice3A_312 = vector.extract_strided_slice %dot_general3A_307 {offsets = [0, 0], sizes = [16, 128], strides = [1, 1]} : vector<16x384xf32> to vector<16x128xf32>
      %add3A_313 = arith.addf %slice3A_311, %slice3A_312 : vector<16x128xf32>
      %tanh3A = math.tanh %add3A_313 : vector<16x128xf32>
      %slice3A_314 = vector.extract_strided_slice %get3A_299 {offsets = [0, 256], sizes = [16, 128], strides = [1, 1]} : vector<16x384xf32> to vector<16x128xf32>
      %slice3A_315 = vector.extract_strided_slice %dot_general3A_307 {offsets = [0, 256], sizes = [16, 128], strides = [1, 1]} : vector<16x384xf32> to vector<16x128xf32>
      %add3A_316 = arith.addf %slice3A_314, %slice3A_315 : vector<16x128xf32>
      %tanh3A_317 = math.tanh %add3A_316 : vector<16x128xf32>
      %slice3A_318 = vector.extract_strided_slice %get3A_299 {offsets = [0, 128], sizes = [16, 128], strides = [1, 1]} : vector<16x384xf32> to vector<16x128xf32>
      %add3A_319 = arith.constant 1.000000e+00 : f32
      %add3A_320 = vector.broadcast %add3A_319 : f32 to vector<16x128xf32>
      %add3A_321 = arith.addf %tanh3A, %add3A_320 : vector<16x128xf32>
      %slice3A_322 = vector.extract_strided_slice %dot_general3A_307 {offsets = [0, 128], sizes = [16, 128], strides = [1, 1]} : vector<16x384xf32> to vector<16x128xf32>
      %add3A_323 = vector.broadcast %mul3A_210 : vector<1x128xf32> to vector<16x128xf32>
      %add3A_324 = arith.addf %slice3A_322, %add3A_323 : vector<16x128xf32>
      %mul3A_325 = arith.mulf %add3A_321, %add3A_324 : vector<16x128xf32>
      %add3A_326 = arith.addf %slice3A_318, %mul3A_325 : vector<16x128xf32>
      %tanh3A_327 = math.tanh %add3A_326 : vector<16x128xf32>
      %mul3A_328 = arith.constant 5.000000e-01 : f32
      %mul3A_329 = vector.broadcast %mul3A_328 : f32 to vector<16x128xf32>
      %mul3A_330 = arith.mulf %mul3A_329, %tanh3A_317 : vector<16x128xf32>
      %sub3A_331 = arith.constant 5.000000e-01 : f32
      %sub3A_332 = vector.broadcast %sub3A_331 : f32 to vector<16x128xf32>
      %sub3A_333 = arith.subf %sub3A_332, %mul3A_330 : vector<16x128xf32>
      %mul3A_334 = arith.constant 5.000000e-01 : f32
      %mul3A_335 = vector.broadcast %mul3A_334 : f32 to vector<16x128xf32>
      %mul3A_336 = arith.mulf %mul3A_335, %tanh3A_317 : vector<16x128xf32>
      %add3A_337 = arith.constant 5.000000e-01 : f32
      %add3A_338 = vector.broadcast %add3A_337 : f32 to vector<16x128xf32>
      %add3A_339 = arith.addf %add3A_338, %mul3A_336 : vector<16x128xf32>
      %mul3A_340 = arith.mulf %sub3A_333, %tanh3A_327 : vector<16x128xf32>
      %mul3A_341 = arith.mulf %add3A_339, %while3A_284 : vector<16x128xf32>
      %add3A_342 = arith.addf %mul3A_340, %mul3A_341 : vector<16x128xf32>
      %slice3A_343 = vector.extract_strided_slice %get3A_304 {offsets = [0, 0], sizes = [16, 128], strides = [1, 1]} : vector<16x384xf32> to vector<16x128xf32>
      %slice3A_344 = vector.extract_strided_slice %dot_general3A_310 {offsets = [0, 0], sizes = [16, 128], strides = [1, 1]} : vector<16x384xf32> to vector<16x128xf32>
      %add3A_345 = arith.addf %slice3A_343, %slice3A_344 : vector<16x128xf32>
      %tanh3A_346 = math.tanh %add3A_345 : vector<16x128xf32>
      %slice3A_347 = vector.extract_strided_slice %get3A_304 {offsets = [0, 256], sizes = [16, 128], strides = [1, 1]} : vector<16x384xf32> to vector<16x128xf32>
      %slice3A_348 = vector.extract_strided_slice %dot_general3A_310 {offsets = [0, 256], sizes = [16, 128], strides = [1, 1]} : vector<16x384xf32> to vector<16x128xf32>
      %add3A_349 = arith.addf %slice3A_347, %slice3A_348 : vector<16x128xf32>
      %tanh3A_350 = math.tanh %add3A_349 : vector<16x128xf32>
      %slice3A_351 = vector.extract_strided_slice %get3A_304 {offsets = [0, 128], sizes = [16, 128], strides = [1, 1]} : vector<16x384xf32> to vector<16x128xf32>
      %add3A_352 = arith.constant 1.000000e+00 : f32
      %add3A_353 = vector.broadcast %add3A_352 : f32 to vector<16x128xf32>
      %add3A_354 = arith.addf %tanh3A_346, %add3A_353 : vector<16x128xf32>
      %slice3A_355 = vector.extract_strided_slice %dot_general3A_310 {offsets = [0, 128], sizes = [16, 128], strides = [1, 1]} : vector<16x384xf32> to vector<16x128xf32>
      %add3A_356 = vector.broadcast %mul3A_221 : vector<1x128xf32> to vector<16x128xf32>
      %add3A_357 = arith.addf %slice3A_355, %add3A_356 : vector<16x128xf32>
      %mul3A_358 = arith.mulf %add3A_354, %add3A_357 : vector<16x128xf32>
      %add3A_359 = arith.addf %slice3A_351, %mul3A_358 : vector<16x128xf32>
      %tanh3A_360 = math.tanh %add3A_359 : vector<16x128xf32>
      %mul3A_361 = arith.constant 5.000000e-01 : f32
      %mul3A_362 = vector.broadcast %mul3A_361 : f32 to vector<16x128xf32>
      %mul3A_363 = arith.mulf %mul3A_362, %tanh3A_350 : vector<16x128xf32>
      %sub3A_364 = arith.constant 5.000000e-01 : f32
      %sub3A_365 = vector.broadcast %sub3A_364 : f32 to vector<16x128xf32>
      %sub3A_366 = arith.subf %sub3A_365, %mul3A_363 : vector<16x128xf32>
      %mul3A_367 = arith.constant 5.000000e-01 : f32
      %mul3A_368 = vector.broadcast %mul3A_367 : f32 to vector<16x128xf32>
      %mul3A_369 = arith.mulf %mul3A_368, %tanh3A_350 : vector<16x128xf32>
      %add3A_370 = arith.constant 5.000000e-01 : f32
      %add3A_371 = vector.broadcast %add3A_370 : f32 to vector<16x128xf32>
      %add3A_372 = arith.addf %add3A_371, %mul3A_369 : vector<16x128xf32>
      %mul3A_373 = arith.mulf %sub3A_366, %tanh3A_360 : vector<16x128xf32>
      %mul3A_374 = arith.mulf %add3A_372, %while3A_285 : vector<16x128xf32>
      %add3A_375 = arith.addf %mul3A_373, %mul3A_374 : vector<16x128xf32>
      %lt3A = vector.broadcast %add3A_291 : i32 to vector<16x128xi32>
      %lt3A_376 = arith.cmpi slt, %lt3A, %broadcast_in_dim3A_226 : vector<16x128xi32>
      %lt3A_377 = vector.broadcast %sub3A_294 : i32 to vector<16x128xi32>
      %lt3A_378 = arith.cmpi slt, %lt3A_377, %broadcast_in_dim3A_226 : vector<16x128xi32>
      %select_n3A_379 = arith.select %lt3A_378, %add3A_375, %while3A_285 : vector<16x128xi1>, vector<16x128xf32>
      %broadcast_in_dim3A_380 = vector.broadcast %while3A : f32 to vector<16x128xf32>
      %select_n3A_381 = arith.select %lt3A_376, %add3A_342, %broadcast_in_dim3A_380 : vector<16x128xi1>, vector<16x128xf32>
      %max3A = arith.maximumf %while3A_286, %select_n3A_381 : vector<16x128xf32>
      %broadcast_in_dim3A_382 = vector.broadcast %while3A : f32 to vector<16x128xf32>
      %select_n3A_383 = arith.select %lt3A_378, %select_n3A_379, %broadcast_in_dim3A_382 : vector<16x128xi1>, vector<16x128xf32>
      %max3A_384 = arith.maximumf %while3A_287, %select_n3A_383 : vector<16x128xf32>
      %add3A_385 = arith.constant 1 : i32
      %add3A_386 = arith.addi %mul3A_289, %add3A_385 : i32
      %sub3A_387 = arith.constant 1 : i32
      %sub3A_388 = arith.subi %mul3A_253, %sub3A_387 : i32
      %sub3A_389 = arith.subi %sub3A_388, %add3A_386 : i32
      %mul3A_390 = arith.constant 16 : i32
      %mul3A_391 = arith.muli %add3A_386, %mul3A_390 : i32
      %get3A_392 = arith.index_cast %mul3A_391 : i32 to index
      %get3A_393 = arith.constant 0 : index
      %get3A_394 = vector.load %arg15[%get3A_392, %get3A_393] : memref<8192x768xf32, #tpu.memory_space<vmem>>, vector<16x384xf32>
      %mul3A_395 = arith.constant 16 : i32
      %mul3A_396 = arith.muli %sub3A_389, %mul3A_395 : i32
      %get3A_397 = arith.index_cast %mul3A_396 : i32 to index
      %get3A_398 = arith.constant 384 : index
      %get3A_399 = vector.load %arg15[%get3A_397, %get3A_398] : memref<8192x768xf32, #tpu.memory_space<vmem>>, vector<16x384xf32>
      %convert_element_type3A_400 = arith.truncf %add3A_342 : vector<16x128xf32> to vector<16x128xbf16>
      %dot_general3A_401 = arith.constant dense<0.000000e+00> : vector<16x384xf32>
      %dot_general3A_402 = tpu.matmul %convert_element_type3A_400, %convert_element_type3A_187, %dot_general3A_401 {dimension_numbers = #tpu.dot_dimension_numbers<[1], [0], [0], [1], [0, 0, 1, 1], [], []>, transpose_lhs_hint = false} : vector<16x128xbf16>, vector<128x384xbf16>, vector<16x384xf32> -> vector<16x384xf32>
      %convert_element_type3A_403 = arith.truncf %select_n3A_379 : vector<16x128xf32> to vector<16x128xbf16>
      %dot_general3A_404 = arith.constant dense<0.000000e+00> : vector<16x384xf32>
      %dot_general3A_405 = tpu.matmul %convert_element_type3A_403, %convert_element_type3A_199, %dot_general3A_404 {dimension_numbers = #tpu.dot_dimension_numbers<[1], [0], [0], [1], [0, 0, 1, 1], [], []>, transpose_lhs_hint = false} : vector<16x128xbf16>, vector<128x384xbf16>, vector<16x384xf32> -> vector<16x384xf32>
      %slice3A_406 = vector.extract_strided_slice %get3A_394 {offsets = [0, 0], sizes = [16, 128], strides = [1, 1]} : vector<16x384xf32> to vector<16x128xf32>
      %slice3A_407 = vector.extract_strided_slice %dot_general3A_402 {offsets = [0, 0], sizes = [16, 128], strides = [1, 1]} : vector<16x384xf32> to vector<16x128xf32>
      %add3A_408 = arith.addf %slice3A_406, %slice3A_407 : vector<16x128xf32>
      %tanh3A_409 = math.tanh %add3A_408 : vector<16x128xf32>
      %slice3A_410 = vector.extract_strided_slice %get3A_394 {offsets = [0, 256], sizes = [16, 128], strides = [1, 1]} : vector<16x384xf32> to vector<16x128xf32>
      %slice3A_411 = vector.extract_strided_slice %dot_general3A_402 {offsets = [0, 256], sizes = [16, 128], strides = [1, 1]} : vector<16x384xf32> to vector<16x128xf32>
      %add3A_412 = arith.addf %slice3A_410, %slice3A_411 : vector<16x128xf32>
      %tanh3A_413 = math.tanh %add3A_412 : vector<16x128xf32>
      %slice3A_414 = vector.extract_strided_slice %get3A_394 {offsets = [0, 128], sizes = [16, 128], strides = [1, 1]} : vector<16x384xf32> to vector<16x128xf32>
      %add3A_415 = arith.constant 1.000000e+00 : f32
      %add3A_416 = vector.broadcast %add3A_415 : f32 to vector<16x128xf32>
      %add3A_417 = arith.addf %tanh3A_409, %add3A_416 : vector<16x128xf32>
      %slice3A_418 = vector.extract_strided_slice %dot_general3A_402 {offsets = [0, 128], sizes = [16, 128], strides = [1, 1]} : vector<16x384xf32> to vector<16x128xf32>
      %add3A_419 = vector.broadcast %mul3A_210 : vector<1x128xf32> to vector<16x128xf32>
      %add3A_420 = arith.addf %slice3A_418, %add3A_419 : vector<16x128xf32>
      %mul3A_421 = arith.mulf %add3A_417, %add3A_420 : vector<16x128xf32>
      %add3A_422 = arith.addf %slice3A_414, %mul3A_421 : vector<16x128xf32>
      %tanh3A_423 = math.tanh %add3A_422 : vector<16x128xf32>
      %mul3A_424 = arith.constant 5.000000e-01 : f32
      %mul3A_425 = vector.broadcast %mul3A_424 : f32 to vector<16x128xf32>
      %mul3A_426 = arith.mulf %mul3A_425, %tanh3A_413 : vector<16x128xf32>
      %sub3A_427 = arith.constant 5.000000e-01 : f32
      %sub3A_428 = vector.broadcast %sub3A_427 : f32 to vector<16x128xf32>
      %sub3A_429 = arith.subf %sub3A_428, %mul3A_426 : vector<16x128xf32>
      %mul3A_430 = arith.constant 5.000000e-01 : f32
      %mul3A_431 = vector.broadcast %mul3A_430 : f32 to vector<16x128xf32>
      %mul3A_432 = arith.mulf %mul3A_431, %tanh3A_413 : vector<16x128xf32>
      %add3A_433 = arith.constant 5.000000e-01 : f32
      %add3A_434 = vector.broadcast %add3A_433 : f32 to vector<16x128xf32>
      %add3A_435 = arith.addf %add3A_434, %mul3A_432 : vector<16x128xf32>
      %mul3A_436 = arith.mulf %sub3A_429, %tanh3A_423 : vector<16x128xf32>
      %mul3A_437 = arith.mulf %add3A_435, %add3A_342 : vector<16x128xf32>
      %add3A_438 = arith.addf %mul3A_436, %mul3A_437 : vector<16x128xf32>
      %slice3A_439 = vector.extract_strided_slice %get3A_399 {offsets = [0, 0], sizes = [16, 128], strides = [1, 1]} : vector<16x384xf32> to vector<16x128xf32>
      %slice3A_440 = vector.extract_strided_slice %dot_general3A_405 {offsets = [0, 0], sizes = [16, 128], strides = [1, 1]} : vector<16x384xf32> to vector<16x128xf32>
      %add3A_441 = arith.addf %slice3A_439, %slice3A_440 : vector<16x128xf32>
      %tanh3A_442 = math.tanh %add3A_441 : vector<16x128xf32>
      %slice3A_443 = vector.extract_strided_slice %get3A_399 {offsets = [0, 256], sizes = [16, 128], strides = [1, 1]} : vector<16x384xf32> to vector<16x128xf32>
      %slice3A_444 = vector.extract_strided_slice %dot_general3A_405 {offsets = [0, 256], sizes = [16, 128], strides = [1, 1]} : vector<16x384xf32> to vector<16x128xf32>
      %add3A_445 = arith.addf %slice3A_443, %slice3A_444 : vector<16x128xf32>
      %tanh3A_446 = math.tanh %add3A_445 : vector<16x128xf32>
      %slice3A_447 = vector.extract_strided_slice %get3A_399 {offsets = [0, 128], sizes = [16, 128], strides = [1, 1]} : vector<16x384xf32> to vector<16x128xf32>
      %add3A_448 = arith.constant 1.000000e+00 : f32
      %add3A_449 = vector.broadcast %add3A_448 : f32 to vector<16x128xf32>
      %add3A_450 = arith.addf %tanh3A_442, %add3A_449 : vector<16x128xf32>
      %slice3A_451 = vector.extract_strided_slice %dot_general3A_405 {offsets = [0, 128], sizes = [16, 128], strides = [1, 1]} : vector<16x384xf32> to vector<16x128xf32>
      %add3A_452 = vector.broadcast %mul3A_221 : vector<1x128xf32> to vector<16x128xf32>
      %add3A_453 = arith.addf %slice3A_451, %add3A_452 : vector<16x128xf32>
      %mul3A_454 = arith.mulf %add3A_450, %add3A_453 : vector<16x128xf32>
      %add3A_455 = arith.addf %slice3A_447, %mul3A_454 : vector<16x128xf32>
      %tanh3A_456 = math.tanh %add3A_455 : vector<16x128xf32>
      %mul3A_457 = arith.constant 5.000000e-01 : f32
      %mul3A_458 = vector.broadcast %mul3A_457 : f32 to vector<16x128xf32>
      %mul3A_459 = arith.mulf %mul3A_458, %tanh3A_446 : vector<16x128xf32>
      %sub3A_460 = arith.constant 5.000000e-01 : f32
      %sub3A_461 = vector.broadcast %sub3A_460 : f32 to vector<16x128xf32>
      %sub3A_462 = arith.subf %sub3A_461, %mul3A_459 : vector<16x128xf32>
      %mul3A_463 = arith.constant 5.000000e-01 : f32
      %mul3A_464 = vector.broadcast %mul3A_463 : f32 to vector<16x128xf32>
      %mul3A_465 = arith.mulf %mul3A_464, %tanh3A_446 : vector<16x128xf32>
      %add3A_466 = arith.constant 5.000000e-01 : f32
      %add3A_467 = vector.broadcast %add3A_466 : f32 to vector<16x128xf32>
      %add3A_468 = arith.addf %add3A_467, %mul3A_465 : vector<16x128xf32>
      %mul3A_469 = arith.mulf %sub3A_462, %tanh3A_456 : vector<16x128xf32>
      %mul3A_470 = arith.mulf %add3A_468, %select_n3A_379 : vector<16x128xf32>
      %add3A_471 = arith.addf %mul3A_469, %mul3A_470 : vector<16x128xf32>
      %lt3A_472 = vector.broadcast %add3A_386 : i32 to vector<16x128xi32>
      %lt3A_473 = arith.cmpi slt, %lt3A_472, %broadcast_in_dim3A_226 : vector<16x128xi32>
      %lt3A_474 = vector.broadcast %sub3A_389 : i32 to vector<16x128xi32>
      %lt3A_475 = arith.cmpi slt, %lt3A_474, %broadcast_in_dim3A_226 : vector<16x128xi32>
      %select_n3A_476 = arith.select %lt3A_475, %add3A_471, %select_n3A_379 : vector<16x128xi1>, vector<16x128xf32>
      %broadcast_in_dim3A_477 = vector.broadcast %while3A : f32 to vector<16x128xf32>
      %select_n3A_478 = arith.select %lt3A_473, %add3A_438, %broadcast_in_dim3A_477 : vector<16x128xi1>, vector<16x128xf32>
      %max3A_479 = arith.maximumf %max3A, %select_n3A_478 : vector<16x128xf32>
      %broadcast_in_dim3A_480 = vector.broadcast %while3A : f32 to vector<16x128xf32>
      %select_n3A_481 = arith.select %lt3A_475, %select_n3A_476, %broadcast_in_dim3A_480 : vector<16x128xi1>, vector<16x128xf32>
      %max3A_482 = arith.maximumf %max3A_384, %select_n3A_481 : vector<16x128xf32>
      %add3A_483 = arith.constant 2 : i32
      %add3A_484 = arith.addi %mul3A_289, %add3A_483 : i32
      %sub3A_485 = arith.constant 1 : i32
      %sub3A_486 = arith.subi %mul3A_253, %sub3A_485 : i32
      %sub3A_487 = arith.subi %sub3A_486, %add3A_484 : i32
      %mul3A_488 = arith.constant 16 : i32
      %mul3A_489 = arith.muli %add3A_484, %mul3A_488 : i32
      %get3A_490 = arith.index_cast %mul3A_489 : i32 to index
      %get3A_491 = arith.constant 0 : index
      %get3A_492 = vector.load %arg15[%get3A_490, %get3A_491] : memref<8192x768xf32, #tpu.memory_space<vmem>>, vector<16x384xf32>
      %mul3A_493 = arith.constant 16 : i32
      %mul3A_494 = arith.muli %sub3A_487, %mul3A_493 : i32
      %get3A_495 = arith.index_cast %mul3A_494 : i32 to index
      %get3A_496 = arith.constant 384 : index
      %get3A_497 = vector.load %arg15[%get3A_495, %get3A_496] : memref<8192x768xf32, #tpu.memory_space<vmem>>, vector<16x384xf32>
      %convert_element_type3A_498 = arith.truncf %add3A_438 : vector<16x128xf32> to vector<16x128xbf16>
      %dot_general3A_499 = arith.constant dense<0.000000e+00> : vector<16x384xf32>
      %dot_general3A_500 = tpu.matmul %convert_element_type3A_498, %convert_element_type3A_187, %dot_general3A_499 {dimension_numbers = #tpu.dot_dimension_numbers<[1], [0], [0], [1], [0, 0, 1, 1], [], []>, transpose_lhs_hint = false} : vector<16x128xbf16>, vector<128x384xbf16>, vector<16x384xf32> -> vector<16x384xf32>
      %convert_element_type3A_501 = arith.truncf %select_n3A_476 : vector<16x128xf32> to vector<16x128xbf16>
      %dot_general3A_502 = arith.constant dense<0.000000e+00> : vector<16x384xf32>
      %dot_general3A_503 = tpu.matmul %convert_element_type3A_501, %convert_element_type3A_199, %dot_general3A_502 {dimension_numbers = #tpu.dot_dimension_numbers<[1], [0], [0], [1], [0, 0, 1, 1], [], []>, transpose_lhs_hint = false} : vector<16x128xbf16>, vector<128x384xbf16>, vector<16x384xf32> -> vector<16x384xf32>
      %slice3A_504 = vector.extract_strided_slice %get3A_492 {offsets = [0, 0], sizes = [16, 128], strides = [1, 1]} : vector<16x384xf32> to vector<16x128xf32>
      %slice3A_505 = vector.extract_strided_slice %dot_general3A_500 {offsets = [0, 0], sizes = [16, 128], strides = [1, 1]} : vector<16x384xf32> to vector<16x128xf32>
      %add3A_506 = arith.addf %slice3A_504, %slice3A_505 : vector<16x128xf32>
      %tanh3A_507 = math.tanh %add3A_506 : vector<16x128xf32>
      %slice3A_508 = vector.extract_strided_slice %get3A_492 {offsets = [0, 256], sizes = [16, 128], strides = [1, 1]} : vector<16x384xf32> to vector<16x128xf32>
      %slice3A_509 = vector.extract_strided_slice %dot_general3A_500 {offsets = [0, 256], sizes = [16, 128], strides = [1, 1]} : vector<16x384xf32> to vector<16x128xf32>
      %add3A_510 = arith.addf %slice3A_508, %slice3A_509 : vector<16x128xf32>
      %tanh3A_511 = math.tanh %add3A_510 : vector<16x128xf32>
      %slice3A_512 = vector.extract_strided_slice %get3A_492 {offsets = [0, 128], sizes = [16, 128], strides = [1, 1]} : vector<16x384xf32> to vector<16x128xf32>
      %add3A_513 = arith.constant 1.000000e+00 : f32
      %add3A_514 = vector.broadcast %add3A_513 : f32 to vector<16x128xf32>
      %add3A_515 = arith.addf %tanh3A_507, %add3A_514 : vector<16x128xf32>
      %slice3A_516 = vector.extract_strided_slice %dot_general3A_500 {offsets = [0, 128], sizes = [16, 128], strides = [1, 1]} : vector<16x384xf32> to vector<16x128xf32>
      %add3A_517 = vector.broadcast %mul3A_210 : vector<1x128xf32> to vector<16x128xf32>
      %add3A_518 = arith.addf %slice3A_516, %add3A_517 : vector<16x128xf32>
      %mul3A_519 = arith.mulf %add3A_515, %add3A_518 : vector<16x128xf32>
      %add3A_520 = arith.addf %slice3A_512, %mul3A_519 : vector<16x128xf32>
      %tanh3A_521 = math.tanh %add3A_520 : vector<16x128xf32>
      %mul3A_522 = arith.constant 5.000000e-01 : f32
      %mul3A_523 = vector.broadcast %mul3A_522 : f32 to vector<16x128xf32>
      %mul3A_524 = arith.mulf %mul3A_523, %tanh3A_511 : vector<16x128xf32>
      %sub3A_525 = arith.constant 5.000000e-01 : f32
      %sub3A_526 = vector.broadcast %sub3A_525 : f32 to vector<16x128xf32>
      %sub3A_527 = arith.subf %sub3A_526, %mul3A_524 : vector<16x128xf32>
      %mul3A_528 = arith.constant 5.000000e-01 : f32
      %mul3A_529 = vector.broadcast %mul3A_528 : f32 to vector<16x128xf32>
      %mul3A_530 = arith.mulf %mul3A_529, %tanh3A_511 : vector<16x128xf32>
      %add3A_531 = arith.constant 5.000000e-01 : f32
      %add3A_532 = vector.broadcast %add3A_531 : f32 to vector<16x128xf32>
      %add3A_533 = arith.addf %add3A_532, %mul3A_530 : vector<16x128xf32>
      %mul3A_534 = arith.mulf %sub3A_527, %tanh3A_521 : vector<16x128xf32>
      %mul3A_535 = arith.mulf %add3A_533, %add3A_438 : vector<16x128xf32>
      %add3A_536 = arith.addf %mul3A_534, %mul3A_535 : vector<16x128xf32>
      %slice3A_537 = vector.extract_strided_slice %get3A_497 {offsets = [0, 0], sizes = [16, 128], strides = [1, 1]} : vector<16x384xf32> to vector<16x128xf32>
      %slice3A_538 = vector.extract_strided_slice %dot_general3A_503 {offsets = [0, 0], sizes = [16, 128], strides = [1, 1]} : vector<16x384xf32> to vector<16x128xf32>
      %add3A_539 = arith.addf %slice3A_537, %slice3A_538 : vector<16x128xf32>
      %tanh3A_540 = math.tanh %add3A_539 : vector<16x128xf32>
      %slice3A_541 = vector.extract_strided_slice %get3A_497 {offsets = [0, 256], sizes = [16, 128], strides = [1, 1]} : vector<16x384xf32> to vector<16x128xf32>
      %slice3A_542 = vector.extract_strided_slice %dot_general3A_503 {offsets = [0, 256], sizes = [16, 128], strides = [1, 1]} : vector<16x384xf32> to vector<16x128xf32>
      %add3A_543 = arith.addf %slice3A_541, %slice3A_542 : vector<16x128xf32>
      %tanh3A_544 = math.tanh %add3A_543 : vector<16x128xf32>
      %slice3A_545 = vector.extract_strided_slice %get3A_497 {offsets = [0, 128], sizes = [16, 128], strides = [1, 1]} : vector<16x384xf32> to vector<16x128xf32>
      %add3A_546 = arith.constant 1.000000e+00 : f32
      %add3A_547 = vector.broadcast %add3A_546 : f32 to vector<16x128xf32>
      %add3A_548 = arith.addf %tanh3A_540, %add3A_547 : vector<16x128xf32>
      %slice3A_549 = vector.extract_strided_slice %dot_general3A_503 {offsets = [0, 128], sizes = [16, 128], strides = [1, 1]} : vector<16x384xf32> to vector<16x128xf32>
      %add3A_550 = vector.broadcast %mul3A_221 : vector<1x128xf32> to vector<16x128xf32>
      %add3A_551 = arith.addf %slice3A_549, %add3A_550 : vector<16x128xf32>
      %mul3A_552 = arith.mulf %add3A_548, %add3A_551 : vector<16x128xf32>
      %add3A_553 = arith.addf %slice3A_545, %mul3A_552 : vector<16x128xf32>
      %tanh3A_554 = math.tanh %add3A_553 : vector<16x128xf32>
      %mul3A_555 = arith.constant 5.000000e-01 : f32
      %mul3A_556 = vector.broadcast %mul3A_555 : f32 to vector<16x128xf32>
      %mul3A_557 = arith.mulf %mul3A_556, %tanh3A_544 : vector<16x128xf32>
      %sub3A_558 = arith.constant 5.000000e-01 : f32
      %sub3A_559 = vector.broadcast %sub3A_558 : f32 to vector<16x128xf32>
      %sub3A_560 = arith.subf %sub3A_559, %mul3A_557 : vector<16x128xf32>
      %mul3A_561 = arith.constant 5.000000e-01 : f32
      %mul3A_562 = vector.broadcast %mul3A_561 : f32 to vector<16x128xf32>
      %mul3A_563 = arith.mulf %mul3A_562, %tanh3A_544 : vector<16x128xf32>
      %add3A_564 = arith.constant 5.000000e-01 : f32
      %add3A_565 = vector.broadcast %add3A_564 : f32 to vector<16x128xf32>
      %add3A_566 = arith.addf %add3A_565, %mul3A_563 : vector<16x128xf32>
      %mul3A_567 = arith.mulf %sub3A_560, %tanh3A_554 : vector<16x128xf32>
      %mul3A_568 = arith.mulf %add3A_566, %select_n3A_476 : vector<16x128xf32>
      %add3A_569 = arith.addf %mul3A_567, %mul3A_568 : vector<16x128xf32>
      %lt3A_570 = vector.broadcast %add3A_484 : i32 to vector<16x128xi32>
      %lt3A_571 = arith.cmpi slt, %lt3A_570, %broadcast_in_dim3A_226 : vector<16x128xi32>
      %lt3A_572 = vector.broadcast %sub3A_487 : i32 to vector<16x128xi32>
      %lt3A_573 = arith.cmpi slt, %lt3A_572, %broadcast_in_dim3A_226 : vector<16x128xi32>
      %select_n3A_574 = arith.select %lt3A_573, %add3A_569, %select_n3A_476 : vector<16x128xi1>, vector<16x128xf32>
      %broadcast_in_dim3A_575 = vector.broadcast %while3A : f32 to vector<16x128xf32>
      %select_n3A_576 = arith.select %lt3A_571, %add3A_536, %broadcast_in_dim3A_575 : vector<16x128xi1>, vector<16x128xf32>
      %max3A_577 = arith.maximumf %max3A_479, %select_n3A_576 : vector<16x128xf32>
      %broadcast_in_dim3A_578 = vector.broadcast %while3A : f32 to vector<16x128xf32>
      %select_n3A_579 = arith.select %lt3A_573, %select_n3A_574, %broadcast_in_dim3A_578 : vector<16x128xi1>, vector<16x128xf32>
      %max3A_580 = arith.maximumf %max3A_482, %select_n3A_579 : vector<16x128xf32>
      %add3A_581 = arith.constant 3 : i32
      %add3A_582 = arith.addi %mul3A_289, %add3A_581 : i32
      %sub3A_583 = arith.constant 1 : i32
      %sub3A_584 = arith.subi %mul3A_253, %sub3A_583 : i32
      %sub3A_585 = arith.subi %sub3A_584, %add3A_582 : i32
      %mul3A_586 = arith.constant 16 : i32
      %mul3A_587 = arith.muli %add3A_582, %mul3A_586 : i32
      %get3A_588 = arith.index_cast %mul3A_587 : i32 to index
      %get3A_589 = arith.constant 0 : index
      %get3A_590 = vector.load %arg15[%get3A_588, %get3A_589] : memref<8192x768xf32, #tpu.memory_space<vmem>>, vector<16x384xf32>
      %mul3A_591 = arith.constant 16 : i32
      %mul3A_592 = arith.muli %sub3A_585, %mul3A_591 : i32
      %get3A_593 = arith.index_cast %mul3A_592 : i32 to index
      %get3A_594 = arith.constant 384 : index
      %get3A_595 = vector.load %arg15[%get3A_593, %get3A_594] : memref<8192x768xf32, #tpu.memory_space<vmem>>, vector<16x384xf32>
      %convert_element_type3A_596 = arith.truncf %add3A_536 : vector<16x128xf32> to vector<16x128xbf16>
      %dot_general3A_597 = arith.constant dense<0.000000e+00> : vector<16x384xf32>
      %dot_general3A_598 = tpu.matmul %convert_element_type3A_596, %convert_element_type3A_187, %dot_general3A_597 {dimension_numbers = #tpu.dot_dimension_numbers<[1], [0], [0], [1], [0, 0, 1, 1], [], []>, transpose_lhs_hint = false} : vector<16x128xbf16>, vector<128x384xbf16>, vector<16x384xf32> -> vector<16x384xf32>
      %convert_element_type3A_599 = arith.truncf %select_n3A_574 : vector<16x128xf32> to vector<16x128xbf16>
      %dot_general3A_600 = arith.constant dense<0.000000e+00> : vector<16x384xf32>
      %dot_general3A_601 = tpu.matmul %convert_element_type3A_599, %convert_element_type3A_199, %dot_general3A_600 {dimension_numbers = #tpu.dot_dimension_numbers<[1], [0], [0], [1], [0, 0, 1, 1], [], []>, transpose_lhs_hint = false} : vector<16x128xbf16>, vector<128x384xbf16>, vector<16x384xf32> -> vector<16x384xf32>
      %slice3A_602 = vector.extract_strided_slice %get3A_590 {offsets = [0, 0], sizes = [16, 128], strides = [1, 1]} : vector<16x384xf32> to vector<16x128xf32>
      %slice3A_603 = vector.extract_strided_slice %dot_general3A_598 {offsets = [0, 0], sizes = [16, 128], strides = [1, 1]} : vector<16x384xf32> to vector<16x128xf32>
      %add3A_604 = arith.addf %slice3A_602, %slice3A_603 : vector<16x128xf32>
      %tanh3A_605 = math.tanh %add3A_604 : vector<16x128xf32>
      %slice3A_606 = vector.extract_strided_slice %get3A_590 {offsets = [0, 256], sizes = [16, 128], strides = [1, 1]} : vector<16x384xf32> to vector<16x128xf32>
      %slice3A_607 = vector.extract_strided_slice %dot_general3A_598 {offsets = [0, 256], sizes = [16, 128], strides = [1, 1]} : vector<16x384xf32> to vector<16x128xf32>
      %add3A_608 = arith.addf %slice3A_606, %slice3A_607 : vector<16x128xf32>
      %tanh3A_609 = math.tanh %add3A_608 : vector<16x128xf32>
      %slice3A_610 = vector.extract_strided_slice %get3A_590 {offsets = [0, 128], sizes = [16, 128], strides = [1, 1]} : vector<16x384xf32> to vector<16x128xf32>
      %add3A_611 = arith.constant 1.000000e+00 : f32
      %add3A_612 = vector.broadcast %add3A_611 : f32 to vector<16x128xf32>
      %add3A_613 = arith.addf %tanh3A_605, %add3A_612 : vector<16x128xf32>
      %slice3A_614 = vector.extract_strided_slice %dot_general3A_598 {offsets = [0, 128], sizes = [16, 128], strides = [1, 1]} : vector<16x384xf32> to vector<16x128xf32>
      %add3A_615 = vector.broadcast %mul3A_210 : vector<1x128xf32> to vector<16x128xf32>
      %add3A_616 = arith.addf %slice3A_614, %add3A_615 : vector<16x128xf32>
      %mul3A_617 = arith.mulf %add3A_613, %add3A_616 : vector<16x128xf32>
      %add3A_618 = arith.addf %slice3A_610, %mul3A_617 : vector<16x128xf32>
      %tanh3A_619 = math.tanh %add3A_618 : vector<16x128xf32>
      %mul3A_620 = arith.constant 5.000000e-01 : f32
      %mul3A_621 = vector.broadcast %mul3A_620 : f32 to vector<16x128xf32>
      %mul3A_622 = arith.mulf %mul3A_621, %tanh3A_609 : vector<16x128xf32>
      %sub3A_623 = arith.constant 5.000000e-01 : f32
      %sub3A_624 = vector.broadcast %sub3A_623 : f32 to vector<16x128xf32>
      %sub3A_625 = arith.subf %sub3A_624, %mul3A_622 : vector<16x128xf32>
      %mul3A_626 = arith.constant 5.000000e-01 : f32
      %mul3A_627 = vector.broadcast %mul3A_626 : f32 to vector<16x128xf32>
      %mul3A_628 = arith.mulf %mul3A_627, %tanh3A_609 : vector<16x128xf32>
      %add3A_629 = arith.constant 5.000000e-01 : f32
      %add3A_630 = vector.broadcast %add3A_629 : f32 to vector<16x128xf32>
      %add3A_631 = arith.addf %add3A_630, %mul3A_628 : vector<16x128xf32>
      %mul3A_632 = arith.mulf %sub3A_625, %tanh3A_619 : vector<16x128xf32>
      %mul3A_633 = arith.mulf %add3A_631, %add3A_536 : vector<16x128xf32>
      %add3A_634 = arith.addf %mul3A_632, %mul3A_633 : vector<16x128xf32>
      %slice3A_635 = vector.extract_strided_slice %get3A_595 {offsets = [0, 0], sizes = [16, 128], strides = [1, 1]} : vector<16x384xf32> to vector<16x128xf32>
      %slice3A_636 = vector.extract_strided_slice %dot_general3A_601 {offsets = [0, 0], sizes = [16, 128], strides = [1, 1]} : vector<16x384xf32> to vector<16x128xf32>
      %add3A_637 = arith.addf %slice3A_635, %slice3A_636 : vector<16x128xf32>
      %tanh3A_638 = math.tanh %add3A_637 : vector<16x128xf32>
      %slice3A_639 = vector.extract_strided_slice %get3A_595 {offsets = [0, 256], sizes = [16, 128], strides = [1, 1]} : vector<16x384xf32> to vector<16x128xf32>
      %slice3A_640 = vector.extract_strided_slice %dot_general3A_601 {offsets = [0, 256], sizes = [16, 128], strides = [1, 1]} : vector<16x384xf32> to vector<16x128xf32>
      %add3A_641 = arith.addf %slice3A_639, %slice3A_640 : vector<16x128xf32>
      %tanh3A_642 = math.tanh %add3A_641 : vector<16x128xf32>
      %slice3A_643 = vector.extract_strided_slice %get3A_595 {offsets = [0, 128], sizes = [16, 128], strides = [1, 1]} : vector<16x384xf32> to vector<16x128xf32>
      %add3A_644 = arith.constant 1.000000e+00 : f32
      %add3A_645 = vector.broadcast %add3A_644 : f32 to vector<16x128xf32>
      %add3A_646 = arith.addf %tanh3A_638, %add3A_645 : vector<16x128xf32>
      %slice3A_647 = vector.extract_strided_slice %dot_general3A_601 {offsets = [0, 128], sizes = [16, 128], strides = [1, 1]} : vector<16x384xf32> to vector<16x128xf32>
      %add3A_648 = vector.broadcast %mul3A_221 : vector<1x128xf32> to vector<16x128xf32>
      %add3A_649 = arith.addf %slice3A_647, %add3A_648 : vector<16x128xf32>
      %mul3A_650 = arith.mulf %add3A_646, %add3A_649 : vector<16x128xf32>
      %add3A_651 = arith.addf %slice3A_643, %mul3A_650 : vector<16x128xf32>
      %tanh3A_652 = math.tanh %add3A_651 : vector<16x128xf32>
      %mul3A_653 = arith.constant 5.000000e-01 : f32
      %mul3A_654 = vector.broadcast %mul3A_653 : f32 to vector<16x128xf32>
      %mul3A_655 = arith.mulf %mul3A_654, %tanh3A_642 : vector<16x128xf32>
      %sub3A_656 = arith.constant 5.000000e-01 : f32
      %sub3A_657 = vector.broadcast %sub3A_656 : f32 to vector<16x128xf32>
      %sub3A_658 = arith.subf %sub3A_657, %mul3A_655 : vector<16x128xf32>
      %mul3A_659 = arith.constant 5.000000e-01 : f32
      %mul3A_660 = vector.broadcast %mul3A_659 : f32 to vector<16x128xf32>
      %mul3A_661 = arith.mulf %mul3A_660, %tanh3A_642 : vector<16x128xf32>
      %add3A_662 = arith.constant 5.000000e-01 : f32
      %add3A_663 = vector.broadcast %add3A_662 : f32 to vector<16x128xf32>
      %add3A_664 = arith.addf %add3A_663, %mul3A_661 : vector<16x128xf32>
      %mul3A_665 = arith.mulf %sub3A_658, %tanh3A_652 : vector<16x128xf32>
      %mul3A_666 = arith.mulf %add3A_664, %select_n3A_574 : vector<16x128xf32>
      %add3A_667 = arith.addf %mul3A_665, %mul3A_666 : vector<16x128xf32>
      %lt3A_668 = vector.broadcast %add3A_582 : i32 to vector<16x128xi32>
      %lt3A_669 = arith.cmpi slt, %lt3A_668, %broadcast_in_dim3A_226 : vector<16x128xi32>
      %lt3A_670 = vector.broadcast %sub3A_585 : i32 to vector<16x128xi32>
      %lt3A_671 = arith.cmpi slt, %lt3A_670, %broadcast_in_dim3A_226 : vector<16x128xi32>
      %select_n3A_672 = arith.select %lt3A_671, %add3A_667, %select_n3A_574 : vector<16x128xi1>, vector<16x128xf32>
      %broadcast_in_dim3A_673 = vector.broadcast %while3A : f32 to vector<16x128xf32>
      %select_n3A_674 = arith.select %lt3A_669, %add3A_634, %broadcast_in_dim3A_673 : vector<16x128xi1>, vector<16x128xf32>
      %max3A_675 = arith.maximumf %max3A_577, %select_n3A_674 : vector<16x128xf32>
      %broadcast_in_dim3A_676 = vector.broadcast %while3A : f32 to vector<16x128xf32>
      %select_n3A_677 = arith.select %lt3A_671, %select_n3A_672, %broadcast_in_dim3A_676 : vector<16x128xi1>, vector<16x128xf32>
      %max3A_678 = arith.maximumf %max3A_580, %select_n3A_677 : vector<16x128xf32>
      %add3A_679 = arith.constant 4 : i32
      %add3A_680 = arith.addi %mul3A_289, %add3A_679 : i32
      %sub3A_681 = arith.constant 1 : i32
      %sub3A_682 = arith.subi %mul3A_253, %sub3A_681 : i32
      %sub3A_683 = arith.subi %sub3A_682, %add3A_680 : i32
      %mul3A_684 = arith.constant 16 : i32
      %mul3A_685 = arith.muli %add3A_680, %mul3A_684 : i32
      %get3A_686 = arith.index_cast %mul3A_685 : i32 to index
      %get3A_687 = arith.constant 0 : index
      %get3A_688 = vector.load %arg15[%get3A_686, %get3A_687] : memref<8192x768xf32, #tpu.memory_space<vmem>>, vector<16x384xf32>
      %mul3A_689 = arith.constant 16 : i32
      %mul3A_690 = arith.muli %sub3A_683, %mul3A_689 : i32
      %get3A_691 = arith.index_cast %mul3A_690 : i32 to index
      %get3A_692 = arith.constant 384 : index
      %get3A_693 = vector.load %arg15[%get3A_691, %get3A_692] : memref<8192x768xf32, #tpu.memory_space<vmem>>, vector<16x384xf32>
      %convert_element_type3A_694 = arith.truncf %add3A_634 : vector<16x128xf32> to vector<16x128xbf16>
      %dot_general3A_695 = arith.constant dense<0.000000e+00> : vector<16x384xf32>
      %dot_general3A_696 = tpu.matmul %convert_element_type3A_694, %convert_element_type3A_187, %dot_general3A_695 {dimension_numbers = #tpu.dot_dimension_numbers<[1], [0], [0], [1], [0, 0, 1, 1], [], []>, transpose_lhs_hint = false} : vector<16x128xbf16>, vector<128x384xbf16>, vector<16x384xf32> -> vector<16x384xf32>
      %convert_element_type3A_697 = arith.truncf %select_n3A_672 : vector<16x128xf32> to vector<16x128xbf16>
      %dot_general3A_698 = arith.constant dense<0.000000e+00> : vector<16x384xf32>
      %dot_general3A_699 = tpu.matmul %convert_element_type3A_697, %convert_element_type3A_199, %dot_general3A_698 {dimension_numbers = #tpu.dot_dimension_numbers<[1], [0], [0], [1], [0, 0, 1, 1], [], []>, transpose_lhs_hint = false} : vector<16x128xbf16>, vector<128x384xbf16>, vector<16x384xf32> -> vector<16x384xf32>
      %slice3A_700 = vector.extract_strided_slice %get3A_688 {offsets = [0, 0], sizes = [16, 128], strides = [1, 1]} : vector<16x384xf32> to vector<16x128xf32>
      %slice3A_701 = vector.extract_strided_slice %dot_general3A_696 {offsets = [0, 0], sizes = [16, 128], strides = [1, 1]} : vector<16x384xf32> to vector<16x128xf32>
      %add3A_702 = arith.addf %slice3A_700, %slice3A_701 : vector<16x128xf32>
      %tanh3A_703 = math.tanh %add3A_702 : vector<16x128xf32>
      %slice3A_704 = vector.extract_strided_slice %get3A_688 {offsets = [0, 256], sizes = [16, 128], strides = [1, 1]} : vector<16x384xf32> to vector<16x128xf32>
      %slice3A_705 = vector.extract_strided_slice %dot_general3A_696 {offsets = [0, 256], sizes = [16, 128], strides = [1, 1]} : vector<16x384xf32> to vector<16x128xf32>
      %add3A_706 = arith.addf %slice3A_704, %slice3A_705 : vector<16x128xf32>
      %tanh3A_707 = math.tanh %add3A_706 : vector<16x128xf32>
      %slice3A_708 = vector.extract_strided_slice %get3A_688 {offsets = [0, 128], sizes = [16, 128], strides = [1, 1]} : vector<16x384xf32> to vector<16x128xf32>
      %add3A_709 = arith.constant 1.000000e+00 : f32
      %add3A_710 = vector.broadcast %add3A_709 : f32 to vector<16x128xf32>
      %add3A_711 = arith.addf %tanh3A_703, %add3A_710 : vector<16x128xf32>
      %slice3A_712 = vector.extract_strided_slice %dot_general3A_696 {offsets = [0, 128], sizes = [16, 128], strides = [1, 1]} : vector<16x384xf32> to vector<16x128xf32>
      %add3A_713 = vector.broadcast %mul3A_210 : vector<1x128xf32> to vector<16x128xf32>
      %add3A_714 = arith.addf %slice3A_712, %add3A_713 : vector<16x128xf32>
      %mul3A_715 = arith.mulf %add3A_711, %add3A_714 : vector<16x128xf32>
      %add3A_716 = arith.addf %slice3A_708, %mul3A_715 : vector<16x128xf32>
      %tanh3A_717 = math.tanh %add3A_716 : vector<16x128xf32>
      %mul3A_718 = arith.constant 5.000000e-01 : f32
      %mul3A_719 = vector.broadcast %mul3A_718 : f32 to vector<16x128xf32>
      %mul3A_720 = arith.mulf %mul3A_719, %tanh3A_707 : vector<16x128xf32>
      %sub3A_721 = arith.constant 5.000000e-01 : f32
      %sub3A_722 = vector.broadcast %sub3A_721 : f32 to vector<16x128xf32>
      %sub3A_723 = arith.subf %sub3A_722, %mul3A_720 : vector<16x128xf32>
      %mul3A_724 = arith.constant 5.000000e-01 : f32
      %mul3A_725 = vector.broadcast %mul3A_724 : f32 to vector<16x128xf32>
      %mul3A_726 = arith.mulf %mul3A_725, %tanh3A_707 : vector<16x128xf32>
      %add3A_727 = arith.constant 5.000000e-01 : f32
      %add3A_728 = vector.broadcast %add3A_727 : f32 to vector<16x128xf32>
      %add3A_729 = arith.addf %add3A_728, %mul3A_726 : vector<16x128xf32>
      %mul3A_730 = arith.mulf %sub3A_723, %tanh3A_717 : vector<16x128xf32>
      %mul3A_731 = arith.mulf %add3A_729, %add3A_634 : vector<16x128xf32>
      %add3A_732 = arith.addf %mul3A_730, %mul3A_731 : vector<16x128xf32>
      %slice3A_733 = vector.extract_strided_slice %get3A_693 {offsets = [0, 0], sizes = [16, 128], strides = [1, 1]} : vector<16x384xf32> to vector<16x128xf32>
      %slice3A_734 = vector.extract_strided_slice %dot_general3A_699 {offsets = [0, 0], sizes = [16, 128], strides = [1, 1]} : vector<16x384xf32> to vector<16x128xf32>
      %add3A_735 = arith.addf %slice3A_733, %slice3A_734 : vector<16x128xf32>
      %tanh3A_736 = math.tanh %add3A_735 : vector<16x128xf32>
      %slice3A_737 = vector.extract_strided_slice %get3A_693 {offsets = [0, 256], sizes = [16, 128], strides = [1, 1]} : vector<16x384xf32> to vector<16x128xf32>
      %slice3A_738 = vector.extract_strided_slice %dot_general3A_699 {offsets = [0, 256], sizes = [16, 128], strides = [1, 1]} : vector<16x384xf32> to vector<16x128xf32>
      %add3A_739 = arith.addf %slice3A_737, %slice3A_738 : vector<16x128xf32>
      %tanh3A_740 = math.tanh %add3A_739 : vector<16x128xf32>
      %slice3A_741 = vector.extract_strided_slice %get3A_693 {offsets = [0, 128], sizes = [16, 128], strides = [1, 1]} : vector<16x384xf32> to vector<16x128xf32>
      %add3A_742 = arith.constant 1.000000e+00 : f32
      %add3A_743 = vector.broadcast %add3A_742 : f32 to vector<16x128xf32>
      %add3A_744 = arith.addf %tanh3A_736, %add3A_743 : vector<16x128xf32>
      %slice3A_745 = vector.extract_strided_slice %dot_general3A_699 {offsets = [0, 128], sizes = [16, 128], strides = [1, 1]} : vector<16x384xf32> to vector<16x128xf32>
      %add3A_746 = vector.broadcast %mul3A_221 : vector<1x128xf32> to vector<16x128xf32>
      %add3A_747 = arith.addf %slice3A_745, %add3A_746 : vector<16x128xf32>
      %mul3A_748 = arith.mulf %add3A_744, %add3A_747 : vector<16x128xf32>
      %add3A_749 = arith.addf %slice3A_741, %mul3A_748 : vector<16x128xf32>
      %tanh3A_750 = math.tanh %add3A_749 : vector<16x128xf32>
      %mul3A_751 = arith.constant 5.000000e-01 : f32
      %mul3A_752 = vector.broadcast %mul3A_751 : f32 to vector<16x128xf32>
      %mul3A_753 = arith.mulf %mul3A_752, %tanh3A_740 : vector<16x128xf32>
      %sub3A_754 = arith.constant 5.000000e-01 : f32
      %sub3A_755 = vector.broadcast %sub3A_754 : f32 to vector<16x128xf32>
      %sub3A_756 = arith.subf %sub3A_755, %mul3A_753 : vector<16x128xf32>
      %mul3A_757 = arith.constant 5.000000e-01 : f32
      %mul3A_758 = vector.broadcast %mul3A_757 : f32 to vector<16x128xf32>
      %mul3A_759 = arith.mulf %mul3A_758, %tanh3A_740 : vector<16x128xf32>
      %add3A_760 = arith.constant 5.000000e-01 : f32
      %add3A_761 = vector.broadcast %add3A_760 : f32 to vector<16x128xf32>
      %add3A_762 = arith.addf %add3A_761, %mul3A_759 : vector<16x128xf32>
      %mul3A_763 = arith.mulf %sub3A_756, %tanh3A_750 : vector<16x128xf32>
      %mul3A_764 = arith.mulf %add3A_762, %select_n3A_672 : vector<16x128xf32>
      %add3A_765 = arith.addf %mul3A_763, %mul3A_764 : vector<16x128xf32>
      %lt3A_766 = vector.broadcast %add3A_680 : i32 to vector<16x128xi32>
      %lt3A_767 = arith.cmpi slt, %lt3A_766, %broadcast_in_dim3A_226 : vector<16x128xi32>
      %lt3A_768 = vector.broadcast %sub3A_683 : i32 to vector<16x128xi32>
      %lt3A_769 = arith.cmpi slt, %lt3A_768, %broadcast_in_dim3A_226 : vector<16x128xi32>
      %select_n3A_770 = arith.select %lt3A_769, %add3A_765, %select_n3A_672 : vector<16x128xi1>, vector<16x128xf32>
      %broadcast_in_dim3A_771 = vector.broadcast %while3A : f32 to vector<16x128xf32>
      %select_n3A_772 = arith.select %lt3A_767, %add3A_732, %broadcast_in_dim3A_771 : vector<16x128xi1>, vector<16x128xf32>
      %max3A_773 = arith.maximumf %max3A_675, %select_n3A_772 : vector<16x128xf32>
      %broadcast_in_dim3A_774 = vector.broadcast %while3A : f32 to vector<16x128xf32>
      %select_n3A_775 = arith.select %lt3A_769, %select_n3A_770, %broadcast_in_dim3A_774 : vector<16x128xi1>, vector<16x128xf32>
      %max3A_776 = arith.maximumf %max3A_678, %select_n3A_775 : vector<16x128xf32>
      %add3A_777 = arith.constant 5 : i32
      %add3A_778 = arith.addi %mul3A_289, %add3A_777 : i32
      %sub3A_779 = arith.constant 1 : i32
      %sub3A_780 = arith.subi %mul3A_253, %sub3A_779 : i32
      %sub3A_781 = arith.subi %sub3A_780, %add3A_778 : i32
      %mul3A_782 = arith.constant 16 : i32
      %mul3A_783 = arith.muli %add3A_778, %mul3A_782 : i32
      %get3A_784 = arith.index_cast %mul3A_783 : i32 to index
      %get3A_785 = arith.constant 0 : index
      %get3A_786 = vector.load %arg15[%get3A_784, %get3A_785] : memref<8192x768xf32, #tpu.memory_space<vmem>>, vector<16x384xf32>
      %mul3A_787 = arith.constant 16 : i32
      %mul3A_788 = arith.muli %sub3A_781, %mul3A_787 : i32
      %get3A_789 = arith.index_cast %mul3A_788 : i32 to index
      %get3A_790 = arith.constant 384 : index
      %get3A_791 = vector.load %arg15[%get3A_789, %get3A_790] : memref<8192x768xf32, #tpu.memory_space<vmem>>, vector<16x384xf32>
      %convert_element_type3A_792 = arith.truncf %add3A_732 : vector<16x128xf32> to vector<16x128xbf16>
      %dot_general3A_793 = arith.constant dense<0.000000e+00> : vector<16x384xf32>
      %dot_general3A_794 = tpu.matmul %convert_element_type3A_792, %convert_element_type3A_187, %dot_general3A_793 {dimension_numbers = #tpu.dot_dimension_numbers<[1], [0], [0], [1], [0, 0, 1, 1], [], []>, transpose_lhs_hint = false} : vector<16x128xbf16>, vector<128x384xbf16>, vector<16x384xf32> -> vector<16x384xf32>
      %convert_element_type3A_795 = arith.truncf %select_n3A_770 : vector<16x128xf32> to vector<16x128xbf16>
      %dot_general3A_796 = arith.constant dense<0.000000e+00> : vector<16x384xf32>
      %dot_general3A_797 = tpu.matmul %convert_element_type3A_795, %convert_element_type3A_199, %dot_general3A_796 {dimension_numbers = #tpu.dot_dimension_numbers<[1], [0], [0], [1], [0, 0, 1, 1], [], []>, transpose_lhs_hint = false} : vector<16x128xbf16>, vector<128x384xbf16>, vector<16x384xf32> -> vector<16x384xf32>
      %slice3A_798 = vector.extract_strided_slice %get3A_786 {offsets = [0, 0], sizes = [16, 128], strides = [1, 1]} : vector<16x384xf32> to vector<16x128xf32>
      %slice3A_799 = vector.extract_strided_slice %dot_general3A_794 {offsets = [0, 0], sizes = [16, 128], strides = [1, 1]} : vector<16x384xf32> to vector<16x128xf32>
      %add3A_800 = arith.addf %slice3A_798, %slice3A_799 : vector<16x128xf32>
      %tanh3A_801 = math.tanh %add3A_800 : vector<16x128xf32>
      %slice3A_802 = vector.extract_strided_slice %get3A_786 {offsets = [0, 256], sizes = [16, 128], strides = [1, 1]} : vector<16x384xf32> to vector<16x128xf32>
      %slice3A_803 = vector.extract_strided_slice %dot_general3A_794 {offsets = [0, 256], sizes = [16, 128], strides = [1, 1]} : vector<16x384xf32> to vector<16x128xf32>
      %add3A_804 = arith.addf %slice3A_802, %slice3A_803 : vector<16x128xf32>
      %tanh3A_805 = math.tanh %add3A_804 : vector<16x128xf32>
      %slice3A_806 = vector.extract_strided_slice %get3A_786 {offsets = [0, 128], sizes = [16, 128], strides = [1, 1]} : vector<16x384xf32> to vector<16x128xf32>
      %add3A_807 = arith.constant 1.000000e+00 : f32
      %add3A_808 = vector.broadcast %add3A_807 : f32 to vector<16x128xf32>
      %add3A_809 = arith.addf %tanh3A_801, %add3A_808 : vector<16x128xf32>
      %slice3A_810 = vector.extract_strided_slice %dot_general3A_794 {offsets = [0, 128], sizes = [16, 128], strides = [1, 1]} : vector<16x384xf32> to vector<16x128xf32>
      %add3A_811 = vector.broadcast %mul3A_210 : vector<1x128xf32> to vector<16x128xf32>
      %add3A_812 = arith.addf %slice3A_810, %add3A_811 : vector<16x128xf32>
      %mul3A_813 = arith.mulf %add3A_809, %add3A_812 : vector<16x128xf32>
      %add3A_814 = arith.addf %slice3A_806, %mul3A_813 : vector<16x128xf32>
      %tanh3A_815 = math.tanh %add3A_814 : vector<16x128xf32>
      %mul3A_816 = arith.constant 5.000000e-01 : f32
      %mul3A_817 = vector.broadcast %mul3A_816 : f32 to vector<16x128xf32>
      %mul3A_818 = arith.mulf %mul3A_817, %tanh3A_805 : vector<16x128xf32>
      %sub3A_819 = arith.constant 5.000000e-01 : f32
      %sub3A_820 = vector.broadcast %sub3A_819 : f32 to vector<16x128xf32>
      %sub3A_821 = arith.subf %sub3A_820, %mul3A_818 : vector<16x128xf32>
      %mul3A_822 = arith.constant 5.000000e-01 : f32
      %mul3A_823 = vector.broadcast %mul3A_822 : f32 to vector<16x128xf32>
      %mul3A_824 = arith.mulf %mul3A_823, %tanh3A_805 : vector<16x128xf32>
      %add3A_825 = arith.constant 5.000000e-01 : f32
      %add3A_826 = vector.broadcast %add3A_825 : f32 to vector<16x128xf32>
      %add3A_827 = arith.addf %add3A_826, %mul3A_824 : vector<16x128xf32>
      %mul3A_828 = arith.mulf %sub3A_821, %tanh3A_815 : vector<16x128xf32>
      %mul3A_829 = arith.mulf %add3A_827, %add3A_732 : vector<16x128xf32>
      %add3A_830 = arith.addf %mul3A_828, %mul3A_829 : vector<16x128xf32>
      %slice3A_831 = vector.extract_strided_slice %get3A_791 {offsets = [0, 0], sizes = [16, 128], strides = [1, 1]} : vector<16x384xf32> to vector<16x128xf32>
      %slice3A_832 = vector.extract_strided_slice %dot_general3A_797 {offsets = [0, 0], sizes = [16, 128], strides = [1, 1]} : vector<16x384xf32> to vector<16x128xf32>
      %add3A_833 = arith.addf %slice3A_831, %slice3A_832 : vector<16x128xf32>
      %tanh3A_834 = math.tanh %add3A_833 : vector<16x128xf32>
      %slice3A_835 = vector.extract_strided_slice %get3A_791 {offsets = [0, 256], sizes = [16, 128], strides = [1, 1]} : vector<16x384xf32> to vector<16x128xf32>
      %slice3A_836 = vector.extract_strided_slice %dot_general3A_797 {offsets = [0, 256], sizes = [16, 128], strides = [1, 1]} : vector<16x384xf32> to vector<16x128xf32>
      %add3A_837 = arith.addf %slice3A_835, %slice3A_836 : vector<16x128xf32>
      %tanh3A_838 = math.tanh %add3A_837 : vector<16x128xf32>
      %slice3A_839 = vector.extract_strided_slice %get3A_791 {offsets = [0, 128], sizes = [16, 128], strides = [1, 1]} : vector<16x384xf32> to vector<16x128xf32>
      %add3A_840 = arith.constant 1.000000e+00 : f32
      %add3A_841 = vector.broadcast %add3A_840 : f32 to vector<16x128xf32>
      %add3A_842 = arith.addf %tanh3A_834, %add3A_841 : vector<16x128xf32>
      %slice3A_843 = vector.extract_strided_slice %dot_general3A_797 {offsets = [0, 128], sizes = [16, 128], strides = [1, 1]} : vector<16x384xf32> to vector<16x128xf32>
      %add3A_844 = vector.broadcast %mul3A_221 : vector<1x128xf32> to vector<16x128xf32>
      %add3A_845 = arith.addf %slice3A_843, %add3A_844 : vector<16x128xf32>
      %mul3A_846 = arith.mulf %add3A_842, %add3A_845 : vector<16x128xf32>
      %add3A_847 = arith.addf %slice3A_839, %mul3A_846 : vector<16x128xf32>
      %tanh3A_848 = math.tanh %add3A_847 : vector<16x128xf32>
      %mul3A_849 = arith.constant 5.000000e-01 : f32
      %mul3A_850 = vector.broadcast %mul3A_849 : f32 to vector<16x128xf32>
      %mul3A_851 = arith.mulf %mul3A_850, %tanh3A_838 : vector<16x128xf32>
      %sub3A_852 = arith.constant 5.000000e-01 : f32
      %sub3A_853 = vector.broadcast %sub3A_852 : f32 to vector<16x128xf32>
      %sub3A_854 = arith.subf %sub3A_853, %mul3A_851 : vector<16x128xf32>
      %mul3A_855 = arith.constant 5.000000e-01 : f32
      %mul3A_856 = vector.broadcast %mul3A_855 : f32 to vector<16x128xf32>
      %mul3A_857 = arith.mulf %mul3A_856, %tanh3A_838 : vector<16x128xf32>
      %add3A_858 = arith.constant 5.000000e-01 : f32
      %add3A_859 = vector.broadcast %add3A_858 : f32 to vector<16x128xf32>
      %add3A_860 = arith.addf %add3A_859, %mul3A_857 : vector<16x128xf32>
      %mul3A_861 = arith.mulf %sub3A_854, %tanh3A_848 : vector<16x128xf32>
      %mul3A_862 = arith.mulf %add3A_860, %select_n3A_770 : vector<16x128xf32>
      %add3A_863 = arith.addf %mul3A_861, %mul3A_862 : vector<16x128xf32>
      %lt3A_864 = vector.broadcast %add3A_778 : i32 to vector<16x128xi32>
      %lt3A_865 = arith.cmpi slt, %lt3A_864, %broadcast_in_dim3A_226 : vector<16x128xi32>
      %lt3A_866 = vector.broadcast %sub3A_781 : i32 to vector<16x128xi32>
      %lt3A_867 = arith.cmpi slt, %lt3A_866, %broadcast_in_dim3A_226 : vector<16x128xi32>
      %select_n3A_868 = arith.select %lt3A_867, %add3A_863, %select_n3A_770 : vector<16x128xi1>, vector<16x128xf32>
      %broadcast_in_dim3A_869 = vector.broadcast %while3A : f32 to vector<16x128xf32>
      %select_n3A_870 = arith.select %lt3A_865, %add3A_830, %broadcast_in_dim3A_869 : vector<16x128xi1>, vector<16x128xf32>
      %max3A_871 = arith.maximumf %max3A_773, %select_n3A_870 : vector<16x128xf32>
      %broadcast_in_dim3A_872 = vector.broadcast %while3A : f32 to vector<16x128xf32>
      %select_n3A_873 = arith.select %lt3A_867, %select_n3A_868, %broadcast_in_dim3A_872 : vector<16x128xi1>, vector<16x128xf32>
      %max3A_874 = arith.maximumf %max3A_776, %select_n3A_873 : vector<16x128xf32>
      %add3A_875 = arith.constant 6 : i32
      %add3A_876 = arith.addi %mul3A_289, %add3A_875 : i32
      %sub3A_877 = arith.constant 1 : i32
      %sub3A_878 = arith.subi %mul3A_253, %sub3A_877 : i32
      %sub3A_879 = arith.subi %sub3A_878, %add3A_876 : i32
      %mul3A_880 = arith.constant 16 : i32
      %mul3A_881 = arith.muli %add3A_876, %mul3A_880 : i32
      %get3A_882 = arith.index_cast %mul3A_881 : i32 to index
      %get3A_883 = arith.constant 0 : index
      %get3A_884 = vector.load %arg15[%get3A_882, %get3A_883] : memref<8192x768xf32, #tpu.memory_space<vmem>>, vector<16x384xf32>
      %mul3A_885 = arith.constant 16 : i32
      %mul3A_886 = arith.muli %sub3A_879, %mul3A_885 : i32
      %get3A_887 = arith.index_cast %mul3A_886 : i32 to index
      %get3A_888 = arith.constant 384 : index
      %get3A_889 = vector.load %arg15[%get3A_887, %get3A_888] : memref<8192x768xf32, #tpu.memory_space<vmem>>, vector<16x384xf32>
      %convert_element_type3A_890 = arith.truncf %add3A_830 : vector<16x128xf32> to vector<16x128xbf16>
      %dot_general3A_891 = arith.constant dense<0.000000e+00> : vector<16x384xf32>
      %dot_general3A_892 = tpu.matmul %convert_element_type3A_890, %convert_element_type3A_187, %dot_general3A_891 {dimension_numbers = #tpu.dot_dimension_numbers<[1], [0], [0], [1], [0, 0, 1, 1], [], []>, transpose_lhs_hint = false} : vector<16x128xbf16>, vector<128x384xbf16>, vector<16x384xf32> -> vector<16x384xf32>
      %convert_element_type3A_893 = arith.truncf %select_n3A_868 : vector<16x128xf32> to vector<16x128xbf16>
      %dot_general3A_894 = arith.constant dense<0.000000e+00> : vector<16x384xf32>
      %dot_general3A_895 = tpu.matmul %convert_element_type3A_893, %convert_element_type3A_199, %dot_general3A_894 {dimension_numbers = #tpu.dot_dimension_numbers<[1], [0], [0], [1], [0, 0, 1, 1], [], []>, transpose_lhs_hint = false} : vector<16x128xbf16>, vector<128x384xbf16>, vector<16x384xf32> -> vector<16x384xf32>
      %slice3A_896 = vector.extract_strided_slice %get3A_884 {offsets = [0, 0], sizes = [16, 128], strides = [1, 1]} : vector<16x384xf32> to vector<16x128xf32>
      %slice3A_897 = vector.extract_strided_slice %dot_general3A_892 {offsets = [0, 0], sizes = [16, 128], strides = [1, 1]} : vector<16x384xf32> to vector<16x128xf32>
      %add3A_898 = arith.addf %slice3A_896, %slice3A_897 : vector<16x128xf32>
      %tanh3A_899 = math.tanh %add3A_898 : vector<16x128xf32>
      %slice3A_900 = vector.extract_strided_slice %get3A_884 {offsets = [0, 256], sizes = [16, 128], strides = [1, 1]} : vector<16x384xf32> to vector<16x128xf32>
      %slice3A_901 = vector.extract_strided_slice %dot_general3A_892 {offsets = [0, 256], sizes = [16, 128], strides = [1, 1]} : vector<16x384xf32> to vector<16x128xf32>
      %add3A_902 = arith.addf %slice3A_900, %slice3A_901 : vector<16x128xf32>
      %tanh3A_903 = math.tanh %add3A_902 : vector<16x128xf32>
      %slice3A_904 = vector.extract_strided_slice %get3A_884 {offsets = [0, 128], sizes = [16, 128], strides = [1, 1]} : vector<16x384xf32> to vector<16x128xf32>
      %add3A_905 = arith.constant 1.000000e+00 : f32
      %add3A_906 = vector.broadcast %add3A_905 : f32 to vector<16x128xf32>
      %add3A_907 = arith.addf %tanh3A_899, %add3A_906 : vector<16x128xf32>
      %slice3A_908 = vector.extract_strided_slice %dot_general3A_892 {offsets = [0, 128], sizes = [16, 128], strides = [1, 1]} : vector<16x384xf32> to vector<16x128xf32>
      %add3A_909 = vector.broadcast %mul3A_210 : vector<1x128xf32> to vector<16x128xf32>
      %add3A_910 = arith.addf %slice3A_908, %add3A_909 : vector<16x128xf32>
      %mul3A_911 = arith.mulf %add3A_907, %add3A_910 : vector<16x128xf32>
      %add3A_912 = arith.addf %slice3A_904, %mul3A_911 : vector<16x128xf32>
      %tanh3A_913 = math.tanh %add3A_912 : vector<16x128xf32>
      %mul3A_914 = arith.constant 5.000000e-01 : f32
      %mul3A_915 = vector.broadcast %mul3A_914 : f32 to vector<16x128xf32>
      %mul3A_916 = arith.mulf %mul3A_915, %tanh3A_903 : vector<16x128xf32>
      %sub3A_917 = arith.constant 5.000000e-01 : f32
      %sub3A_918 = vector.broadcast %sub3A_917 : f32 to vector<16x128xf32>
      %sub3A_919 = arith.subf %sub3A_918, %mul3A_916 : vector<16x128xf32>
      %mul3A_920 = arith.constant 5.000000e-01 : f32
      %mul3A_921 = vector.broadcast %mul3A_920 : f32 to vector<16x128xf32>
      %mul3A_922 = arith.mulf %mul3A_921, %tanh3A_903 : vector<16x128xf32>
      %add3A_923 = arith.constant 5.000000e-01 : f32
      %add3A_924 = vector.broadcast %add3A_923 : f32 to vector<16x128xf32>
      %add3A_925 = arith.addf %add3A_924, %mul3A_922 : vector<16x128xf32>
      %mul3A_926 = arith.mulf %sub3A_919, %tanh3A_913 : vector<16x128xf32>
      %mul3A_927 = arith.mulf %add3A_925, %add3A_830 : vector<16x128xf32>
      %add3A_928 = arith.addf %mul3A_926, %mul3A_927 : vector<16x128xf32>
      %slice3A_929 = vector.extract_strided_slice %get3A_889 {offsets = [0, 0], sizes = [16, 128], strides = [1, 1]} : vector<16x384xf32> to vector<16x128xf32>
      %slice3A_930 = vector.extract_strided_slice %dot_general3A_895 {offsets = [0, 0], sizes = [16, 128], strides = [1, 1]} : vector<16x384xf32> to vector<16x128xf32>
      %add3A_931 = arith.addf %slice3A_929, %slice3A_930 : vector<16x128xf32>
      %tanh3A_932 = math.tanh %add3A_931 : vector<16x128xf32>
      %slice3A_933 = vector.extract_strided_slice %get3A_889 {offsets = [0, 256], sizes = [16, 128], strides = [1, 1]} : vector<16x384xf32> to vector<16x128xf32>
      %slice3A_934 = vector.extract_strided_slice %dot_general3A_895 {offsets = [0, 256], sizes = [16, 128], strides = [1, 1]} : vector<16x384xf32> to vector<16x128xf32>
      %add3A_935 = arith.addf %slice3A_933, %slice3A_934 : vector<16x128xf32>
      %tanh3A_936 = math.tanh %add3A_935 : vector<16x128xf32>
      %slice3A_937 = vector.extract_strided_slice %get3A_889 {offsets = [0, 128], sizes = [16, 128], strides = [1, 1]} : vector<16x384xf32> to vector<16x128xf32>
      %add3A_938 = arith.constant 1.000000e+00 : f32
      %add3A_939 = vector.broadcast %add3A_938 : f32 to vector<16x128xf32>
      %add3A_940 = arith.addf %tanh3A_932, %add3A_939 : vector<16x128xf32>
      %slice3A_941 = vector.extract_strided_slice %dot_general3A_895 {offsets = [0, 128], sizes = [16, 128], strides = [1, 1]} : vector<16x384xf32> to vector<16x128xf32>
      %add3A_942 = vector.broadcast %mul3A_221 : vector<1x128xf32> to vector<16x128xf32>
      %add3A_943 = arith.addf %slice3A_941, %add3A_942 : vector<16x128xf32>
      %mul3A_944 = arith.mulf %add3A_940, %add3A_943 : vector<16x128xf32>
      %add3A_945 = arith.addf %slice3A_937, %mul3A_944 : vector<16x128xf32>
      %tanh3A_946 = math.tanh %add3A_945 : vector<16x128xf32>
      %mul3A_947 = arith.constant 5.000000e-01 : f32
      %mul3A_948 = vector.broadcast %mul3A_947 : f32 to vector<16x128xf32>
      %mul3A_949 = arith.mulf %mul3A_948, %tanh3A_936 : vector<16x128xf32>
      %sub3A_950 = arith.constant 5.000000e-01 : f32
      %sub3A_951 = vector.broadcast %sub3A_950 : f32 to vector<16x128xf32>
      %sub3A_952 = arith.subf %sub3A_951, %mul3A_949 : vector<16x128xf32>
      %mul3A_953 = arith.constant 5.000000e-01 : f32
      %mul3A_954 = vector.broadcast %mul3A_953 : f32 to vector<16x128xf32>
      %mul3A_955 = arith.mulf %mul3A_954, %tanh3A_936 : vector<16x128xf32>
      %add3A_956 = arith.constant 5.000000e-01 : f32
      %add3A_957 = vector.broadcast %add3A_956 : f32 to vector<16x128xf32>
      %add3A_958 = arith.addf %add3A_957, %mul3A_955 : vector<16x128xf32>
      %mul3A_959 = arith.mulf %sub3A_952, %tanh3A_946 : vector<16x128xf32>
      %mul3A_960 = arith.mulf %add3A_958, %select_n3A_868 : vector<16x128xf32>
      %add3A_961 = arith.addf %mul3A_959, %mul3A_960 : vector<16x128xf32>
      %lt3A_962 = vector.broadcast %add3A_876 : i32 to vector<16x128xi32>
      %lt3A_963 = arith.cmpi slt, %lt3A_962, %broadcast_in_dim3A_226 : vector<16x128xi32>
      %lt3A_964 = vector.broadcast %sub3A_879 : i32 to vector<16x128xi32>
      %lt3A_965 = arith.cmpi slt, %lt3A_964, %broadcast_in_dim3A_226 : vector<16x128xi32>
      %select_n3A_966 = arith.select %lt3A_965, %add3A_961, %select_n3A_868 : vector<16x128xi1>, vector<16x128xf32>
      %broadcast_in_dim3A_967 = vector.broadcast %while3A : f32 to vector<16x128xf32>
      %select_n3A_968 = arith.select %lt3A_963, %add3A_928, %broadcast_in_dim3A_967 : vector<16x128xi1>, vector<16x128xf32>
      %max3A_969 = arith.maximumf %max3A_871, %select_n3A_968 : vector<16x128xf32>
      %broadcast_in_dim3A_970 = vector.broadcast %while3A : f32 to vector<16x128xf32>
      %select_n3A_971 = arith.select %lt3A_965, %select_n3A_966, %broadcast_in_dim3A_970 : vector<16x128xi1>, vector<16x128xf32>
      %max3A_972 = arith.maximumf %max3A_874, %select_n3A_971 : vector<16x128xf32>
      %add3A_973 = arith.constant 7 : i32
      %add3A_974 = arith.addi %mul3A_289, %add3A_973 : i32
      %sub3A_975 = arith.constant 1 : i32
      %sub3A_976 = arith.subi %mul3A_253, %sub3A_975 : i32
      %sub3A_977 = arith.subi %sub3A_976, %add3A_974 : i32
      %mul3A_978 = arith.constant 16 : i32
      %mul3A_979 = arith.muli %add3A_974, %mul3A_978 : i32
      %get3A_980 = arith.index_cast %mul3A_979 : i32 to index
      %get3A_981 = arith.constant 0 : index
      %get3A_982 = vector.load %arg15[%get3A_980, %get3A_981] : memref<8192x768xf32, #tpu.memory_space<vmem>>, vector<16x384xf32>
      %mul3A_983 = arith.constant 16 : i32
      %mul3A_984 = arith.muli %sub3A_977, %mul3A_983 : i32
      %get3A_985 = arith.index_cast %mul3A_984 : i32 to index
      %get3A_986 = arith.constant 384 : index
      %get3A_987 = vector.load %arg15[%get3A_985, %get3A_986] : memref<8192x768xf32, #tpu.memory_space<vmem>>, vector<16x384xf32>
      %convert_element_type3A_988 = arith.truncf %add3A_928 : vector<16x128xf32> to vector<16x128xbf16>
      %dot_general3A_989 = arith.constant dense<0.000000e+00> : vector<16x384xf32>
      %dot_general3A_990 = tpu.matmul %convert_element_type3A_988, %convert_element_type3A_187, %dot_general3A_989 {dimension_numbers = #tpu.dot_dimension_numbers<[1], [0], [0], [1], [0, 0, 1, 1], [], []>, transpose_lhs_hint = false} : vector<16x128xbf16>, vector<128x384xbf16>, vector<16x384xf32> -> vector<16x384xf32>
      %convert_element_type3A_991 = arith.truncf %select_n3A_966 : vector<16x128xf32> to vector<16x128xbf16>
      %dot_general3A_992 = arith.constant dense<0.000000e+00> : vector<16x384xf32>
      %dot_general3A_993 = tpu.matmul %convert_element_type3A_991, %convert_element_type3A_199, %dot_general3A_992 {dimension_numbers = #tpu.dot_dimension_numbers<[1], [0], [0], [1], [0, 0, 1, 1], [], []>, transpose_lhs_hint = false} : vector<16x128xbf16>, vector<128x384xbf16>, vector<16x384xf32> -> vector<16x384xf32>
      %slice3A_994 = vector.extract_strided_slice %get3A_982 {offsets = [0, 0], sizes = [16, 128], strides = [1, 1]} : vector<16x384xf32> to vector<16x128xf32>
      %slice3A_995 = vector.extract_strided_slice %dot_general3A_990 {offsets = [0, 0], sizes = [16, 128], strides = [1, 1]} : vector<16x384xf32> to vector<16x128xf32>
      %add3A_996 = arith.addf %slice3A_994, %slice3A_995 : vector<16x128xf32>
      %tanh3A_997 = math.tanh %add3A_996 : vector<16x128xf32>
      %slice3A_998 = vector.extract_strided_slice %get3A_982 {offsets = [0, 256], sizes = [16, 128], strides = [1, 1]} : vector<16x384xf32> to vector<16x128xf32>
      %slice3A_999 = vector.extract_strided_slice %dot_general3A_990 {offsets = [0, 256], sizes = [16, 128], strides = [1, 1]} : vector<16x384xf32> to vector<16x128xf32>
      %add3A_1000 = arith.addf %slice3A_998, %slice3A_999 : vector<16x128xf32>
      %tanh3A_1001 = math.tanh %add3A_1000 : vector<16x128xf32>
      %slice3A_1002 = vector.extract_strided_slice %get3A_982 {offsets = [0, 128], sizes = [16, 128], strides = [1, 1]} : vector<16x384xf32> to vector<16x128xf32>
      %add3A_1003 = arith.constant 1.000000e+00 : f32
      %add3A_1004 = vector.broadcast %add3A_1003 : f32 to vector<16x128xf32>
      %add3A_1005 = arith.addf %tanh3A_997, %add3A_1004 : vector<16x128xf32>
      %slice3A_1006 = vector.extract_strided_slice %dot_general3A_990 {offsets = [0, 128], sizes = [16, 128], strides = [1, 1]} : vector<16x384xf32> to vector<16x128xf32>
      %add3A_1007 = vector.broadcast %mul3A_210 : vector<1x128xf32> to vector<16x128xf32>
      %add3A_1008 = arith.addf %slice3A_1006, %add3A_1007 : vector<16x128xf32>
      %mul3A_1009 = arith.mulf %add3A_1005, %add3A_1008 : vector<16x128xf32>
      %add3A_1010 = arith.addf %slice3A_1002, %mul3A_1009 : vector<16x128xf32>
      %tanh3A_1011 = math.tanh %add3A_1010 : vector<16x128xf32>
      %mul3A_1012 = arith.constant 5.000000e-01 : f32
      %mul3A_1013 = vector.broadcast %mul3A_1012 : f32 to vector<16x128xf32>
      %mul3A_1014 = arith.mulf %mul3A_1013, %tanh3A_1001 : vector<16x128xf32>
      %sub3A_1015 = arith.constant 5.000000e-01 : f32
      %sub3A_1016 = vector.broadcast %sub3A_1015 : f32 to vector<16x128xf32>
      %sub3A_1017 = arith.subf %sub3A_1016, %mul3A_1014 : vector<16x128xf32>
      %mul3A_1018 = arith.constant 5.000000e-01 : f32
      %mul3A_1019 = vector.broadcast %mul3A_1018 : f32 to vector<16x128xf32>
      %mul3A_1020 = arith.mulf %mul3A_1019, %tanh3A_1001 : vector<16x128xf32>
      %add3A_1021 = arith.constant 5.000000e-01 : f32
      %add3A_1022 = vector.broadcast %add3A_1021 : f32 to vector<16x128xf32>
      %add3A_1023 = arith.addf %add3A_1022, %mul3A_1020 : vector<16x128xf32>
      %mul3A_1024 = arith.mulf %sub3A_1017, %tanh3A_1011 : vector<16x128xf32>
      %mul3A_1025 = arith.mulf %add3A_1023, %add3A_928 : vector<16x128xf32>
      %add3A_1026 = arith.addf %mul3A_1024, %mul3A_1025 : vector<16x128xf32>
      %slice3A_1027 = vector.extract_strided_slice %get3A_987 {offsets = [0, 0], sizes = [16, 128], strides = [1, 1]} : vector<16x384xf32> to vector<16x128xf32>
      %slice3A_1028 = vector.extract_strided_slice %dot_general3A_993 {offsets = [0, 0], sizes = [16, 128], strides = [1, 1]} : vector<16x384xf32> to vector<16x128xf32>
      %add3A_1029 = arith.addf %slice3A_1027, %slice3A_1028 : vector<16x128xf32>
      %tanh3A_1030 = math.tanh %add3A_1029 : vector<16x128xf32>
      %slice3A_1031 = vector.extract_strided_slice %get3A_987 {offsets = [0, 256], sizes = [16, 128], strides = [1, 1]} : vector<16x384xf32> to vector<16x128xf32>
      %slice3A_1032 = vector.extract_strided_slice %dot_general3A_993 {offsets = [0, 256], sizes = [16, 128], strides = [1, 1]} : vector<16x384xf32> to vector<16x128xf32>
      %add3A_1033 = arith.addf %slice3A_1031, %slice3A_1032 : vector<16x128xf32>
      %tanh3A_1034 = math.tanh %add3A_1033 : vector<16x128xf32>
      %slice3A_1035 = vector.extract_strided_slice %get3A_987 {offsets = [0, 128], sizes = [16, 128], strides = [1, 1]} : vector<16x384xf32> to vector<16x128xf32>
      %add3A_1036 = arith.constant 1.000000e+00 : f32
      %add3A_1037 = vector.broadcast %add3A_1036 : f32 to vector<16x128xf32>
      %add3A_1038 = arith.addf %tanh3A_1030, %add3A_1037 : vector<16x128xf32>
      %slice3A_1039 = vector.extract_strided_slice %dot_general3A_993 {offsets = [0, 128], sizes = [16, 128], strides = [1, 1]} : vector<16x384xf32> to vector<16x128xf32>
      %add3A_1040 = vector.broadcast %mul3A_221 : vector<1x128xf32> to vector<16x128xf32>
      %add3A_1041 = arith.addf %slice3A_1039, %add3A_1040 : vector<16x128xf32>
      %mul3A_1042 = arith.mulf %add3A_1038, %add3A_1041 : vector<16x128xf32>
      %add3A_1043 = arith.addf %slice3A_1035, %mul3A_1042 : vector<16x128xf32>
      %tanh3A_1044 = math.tanh %add3A_1043 : vector<16x128xf32>
      %mul3A_1045 = arith.constant 5.000000e-01 : f32
      %mul3A_1046 = vector.broadcast %mul3A_1045 : f32 to vector<16x128xf32>
      %mul3A_1047 = arith.mulf %mul3A_1046, %tanh3A_1034 : vector<16x128xf32>
      %sub3A_1048 = arith.constant 5.000000e-01 : f32
      %sub3A_1049 = vector.broadcast %sub3A_1048 : f32 to vector<16x128xf32>
      %sub3A_1050 = arith.subf %sub3A_1049, %mul3A_1047 : vector<16x128xf32>
      %mul3A_1051 = arith.constant 5.000000e-01 : f32
      %mul3A_1052 = vector.broadcast %mul3A_1051 : f32 to vector<16x128xf32>
      %mul3A_1053 = arith.mulf %mul3A_1052, %tanh3A_1034 : vector<16x128xf32>
      %add3A_1054 = arith.constant 5.000000e-01 : f32
      %add3A_1055 = vector.broadcast %add3A_1054 : f32 to vector<16x128xf32>
      %add3A_1056 = arith.addf %add3A_1055, %mul3A_1053 : vector<16x128xf32>
      %mul3A_1057 = arith.mulf %sub3A_1050, %tanh3A_1044 : vector<16x128xf32>
      %mul3A_1058 = arith.mulf %add3A_1056, %select_n3A_966 : vector<16x128xf32>
      %add3A_1059 = arith.addf %mul3A_1057, %mul3A_1058 : vector<16x128xf32>
      %lt3A_1060 = vector.broadcast %add3A_974 : i32 to vector<16x128xi32>
      %lt3A_1061 = arith.cmpi slt, %lt3A_1060, %broadcast_in_dim3A_226 : vector<16x128xi32>
      %lt3A_1062 = vector.broadcast %sub3A_977 : i32 to vector<16x128xi32>
      %lt3A_1063 = arith.cmpi slt, %lt3A_1062, %broadcast_in_dim3A_226 : vector<16x128xi32>
      %select_n3A_1064 = arith.select %lt3A_1063, %add3A_1059, %select_n3A_966 : vector<16x128xi1>, vector<16x128xf32>
      %broadcast_in_dim3A_1065 = vector.broadcast %while3A : f32 to vector<16x128xf32>
      %select_n3A_1066 = arith.select %lt3A_1061, %add3A_1026, %broadcast_in_dim3A_1065 : vector<16x128xi1>, vector<16x128xf32>
      %max3A_1067 = arith.maximumf %max3A_969, %select_n3A_1066 : vector<16x128xf32>
      %broadcast_in_dim3A_1068 = vector.broadcast %while3A : f32 to vector<16x128xf32>
      %select_n3A_1069 = arith.select %lt3A_1063, %select_n3A_1064, %broadcast_in_dim3A_1068 : vector<16x128xi1>, vector<16x128xf32>
      %max3A_1070 = arith.maximumf %max3A_972, %select_n3A_1069 : vector<16x128xf32>
      scf.yield %add3A_1026, %select_n3A_1064, %max3A_1067, %max3A_1070 : vector<16x128xf32>, vector<16x128xf32>, vector<16x128xf32>, vector<16x128xf32>
    }
    %concatenate3A_269 = tpu.concatenate %while3A_268#2, %while3A_268#3 in 1 : vector<16x128xf32>, vector<16x128xf32> -> vector<16x256xf32>
    %get3A_270 = arith.constant 0 : index
    %get3A_271 = arith.constant 0 : index
    %get3A_272 = vector.load %arg12[%get3A_270, %get3A_271] : memref<256x104xf32, #tpu.memory_space<vmem>>, vector<256x104xf32>
    %dot_general3A_273 = arith.constant dense<0.000000e+00> : vector<16x104xf32>
    %dot_general3A_274 = tpu.matmul %concatenate3A_269, %get3A_272, %dot_general3A_273 {dimension_numbers = #tpu.dot_dimension_numbers<[1], [0], [0], [1], [0, 0, 1, 1], [], []>, transpose_lhs_hint = false} : vector<16x256xf32>, vector<256x104xf32>, vector<16x104xf32> -> vector<16x104xf32>
    %get3A_275 = arith.constant 0 : index
    %get3A_276 = arith.constant 0 : index
    %get3A_277 = vector.load %arg13[%get3A_275, %get3A_276] : memref<1x104xf32, #tpu.memory_space<vmem>>, vector<1x104xf32>
    %add3A_278 = vector.broadcast %get3A_277 : vector<1x104xf32> to vector<16x104xf32>
    %add3A_279 = arith.addf %dot_general3A_274, %add3A_278 : vector<16x104xf32>
    %swap3A_280 = arith.constant 0 : index
    %swap3A_281 = arith.constant 0 : index
    %swap3A_282 = vector.load %arg14[%swap3A_280, %swap3A_281] : memref<16x104xf32, #tpu.memory_space<vmem>>, vector<16x104xf32>
    tpu.vector_store %arg14[%swap3A_280, %swap3A_281], %add3A_279 {strides = array<i32>} : memref<16x104xf32, #tpu.memory_space<vmem>>, vector<16x104xf32>,
    return
  }
}

</mosaic_0001>

<sc_bundles>
// kernel: kernel.4.cloned.1.call-start
scs
__scs_entry_jumppad:
0x0: {  	(pc) =	sbr.rel $0x88, $3  }
0x1: {  	(tag) =	ssettag $0x0;
	lr =	simm.s32 $0x1  }
0x2: {  	[smem:$0x3F92] =	sst lr;
	_ =	strace $0xD0000000  }
0x3: {  	_ = 	snop  }
0x4: {  	_ = 	snop  }
0x5: {  	_ = 	snop  }
0x6: {  	_ = 	snop  }
0x7: {  	_ = 	snop  }
__scs_overlays_trampoline_lowered:
0x8: {  	[smem:$0x3FA1] =	sst s0  }
0x9: {  	[smem:$0x3FA2] =	sst s1  }
0xa: {  	[smem:$0x3FA3] =	sst s2  }
0xb: {  	[smem:$0x3FA4] =	sst s3  }
0xc: {  	[smem:$0x3FA5] =	sst s4  }
0xd: {  	[smem:$0x3FA6] =	sst s5  }
0xe: {  	[smem:$0x3FA7] =	sst s6  }
0xf: {  	[smem:$0x3FA8] =	sst s7  }
0x10: {  	[smem:$0x3FA9] =	sst s8  }
0x11: {  	[smem:$0x3FAA] =	sst s9;
	s0 =	simm.s32 @!p0 $0x0  }
0x12: {  	s1 =	sld [smem:$0x3F90];
	s0 =	simm.s32 @p0 $0x1  }
0x13: {  	[smem:$0x3FAB] =	sst s0;
	s0 =	simm.s32 @!p1 $0x0  }
0x14: {  	s2 =	sld [smem:$0x3F8F];
	s0 =	simm.s32 @p1 $0x1  }
0x15: {  	[smem:$0x3FAC] =	sst s0;
	s0 =	simm.s32 @!p2 $0x0  }
0x16: {  	s3 =	sld [smem:$0x3FDB];
	s0 =	simm.s32 @p2 $0x1  }
0x17: {  	s4 =	simm.s32 $0x1BF5;
	[smem:$0x3FAE] =	sst s0  }
0x18: {  	s0 =	sld [smem:$0x3F91];
	_ =	swait.ge [sflag:s4], $0x0  }
0x19: {  	s7 =	sld [smem:$0x3F92]  }
0x1a: {  	s8 =	sadd.s32 $0xFFFFE003, lr  }
0x1b: {  	s9 =	sadd.s32 $0xFFFFFEF7, lr;
	s5 =	simm.s32 $0xFFFFFFFF;
	p2 =	slt.u32 s8, $0xFFFFF086  }
0x1c: {  	p1 =	slt.u32 s9, $0xF7A;
	s5 =	simm.s32 @!p2 $0x0  }
0x1d: {  	s5 =	simm.s32 @p1 $0x1;
	p0 =	seq.s32 s7, s2  }
0x1e: {  	s7 =	smul.u32 @!p0 $0xF7A, s2;
	p2 =	seq.s32 @!p0 s5, $0x0  }
0x1f: {  	s9 =	smul.u32 $0xF7A, s1;
	s8 =	simm.s32 @!p0 $0x1BF5;
	p2 =	por !p2, p0  }
0x20: {  	[sflag:s8] =	ssyncset.s32 @!p0 $0xFFFFF086;
	s6 =	sadd.s32 @!p0 s3, s7;
	s7 =	simm.s32 @!p0 $0x108  }
0x21: {  	s3 =	sadd.s32 s3, s9;
	s6 =	sadd.s32 @!p0 $0x88, s6;
	s7 =	simm.s32 @p2 $0x1082  }
0x22: {  	[simem:s7], [sflag:s8] =	dma.local @!p0 [hbm:s6], $0xF7A  }
0x23: {  	s9 =	sor.u32 $0xD0000000, s2;
	s6 =	simm.s32 $0x108;
	_ =	swait.ge @!p0 [sflag:s8], $0x0  }
0x24: {  	s3 =	sadd.s32 $0x88, s3;
	s6 =	simm.s32 @!p1 $0x1082;
	[sflag:s4] =	ssyncset.s32 $0xFFFFF086  }
0x25: {  	[simem:s6], [sflag:s4] =	dma.local [hbm:s3], $0xF7A  }
0x26: {  	[smem:$0x3F92] =	sst s1;
	(tag) =	ssettag s2;
	_ =	strace s9  }
0x27: {  	s1 =	sld [smem:$0x3FA2]  }
0x28: {  	s2 =	sld [smem:$0x3FA3]  }
0x29: {  	s4 =	sld [smem:$0x3FA5]  }
0x2a: {  	p0 =	seq.s32 s5, $0x0;
	s5 =	sld [smem:$0x3FA6]  }
0x2b: {  	s6 =	sld [smem:$0x3FA7]  }
0x2c: {  	s7 =	sld [smem:$0x3FA8]  }
0x2d: {  	s3 =	simm.s32 $0x108;
	s8 =	sld [smem:$0x3FA9]  }
0x2e: {  	s3 =	simm.s32 @!p0 $0x1082;
	s9 =	sld [smem:$0x3FAA]  }
0x2f: {  	lr =	sadd.s32 s0, s3;
	s0 =	sld [smem:$0x3FA1]  }
0x30: {  	s3 =	sld [smem:$0x3FA4]  }
0x31: {  	[smem:$0x3FAD] =	sst s10  }
0x32: {  	s10 =	sld [smem:$0x3FAB];
	_ =	sdelay $0x3  }
0x33: {  	p0 =	seq.s32 s10, $0x1;
	s10 =	sld [smem:$0x3FAD];
	_ =	sdelay $0x3  }
0x34: {  	[smem:$0x3FAD] =	sst s10  }
0x35: {  	s10 =	sld [smem:$0x3FAC];
	_ =	sdelay $0x3  }
0x36: {  	p1 =	seq.s32 s10, $0x1;
	s10 =	sld [smem:$0x3FAD];
	_ =	sdelay $0x3  }
0x37: {  	[smem:$0x3FAD] =	sst s10  }
0x38: {  	s10 =	sld [smem:$0x3FAE]  }
0x39: {  	_ = 	snop;
	(pc) =	sbr.ind lr, $3  }
0x3a: {  	_ = 	snop  }
0x3b: {  	_ = 	snop  }
0x3c: {  	p2 =	seq.s32 s10, $0x1;
	s10 =	sld [smem:$0x3FAD]  }
0x3d: {  	_ =	shalt  }
0x3e: {  	_ =	shalt  }
0x3f: {  	_ =	shalt  }
0x40: {  	_ =	shalt  }
0x41: {  	_ =	shalt  }
0x42: {  	_ =	shalt  }
0x43: {  	_ =	shalt  }
0x44: {  	_ =	shalt  }
0x45: {  	_ =	shalt  }
0x46: {  	_ =	shalt  }
0x47: {  	_ =	shalt  }
0x48: {  	_ =	shalt  }
0x49: {  	_ =	shalt  }
0x4a: {  	_ =	shalt  }
0x4b: {  	_ =	shalt  }
0x4c: {  	_ =	shalt  }
0x4d: {  	_ =	shalt  }
0x4e: {  	_ =	shalt  }
0x4f: {  	_ =	shalt  }
0x50: {  	_ =	shalt  }
0x51: {  	_ =	shalt  }
0x52: {  	_ =	shalt  }
0x53: {  	_ =	shalt  }
0x54: {  	_ =	shalt  }
0x55: {  	_ =	shalt  }
0x56: {  	_ =	shalt  }
0x57: {  	_ =	shalt  }
0x58: {  	_ =	shalt  }
0x59: {  	_ =	shalt  }
0x5a: {  	_ =	shalt  }
0x5b: {  	_ =	shalt  }
0x5c: {  	_ =	shalt  }
0x5d: {  	_ =	shalt  }
0x5e: {  	_ =	shalt  }
0x5f: {  	_ =	shalt  }
0x60: {  	_ =	shalt  }
0x61: {  	_ =	shalt  }
0x62: {  	_ =	shalt  }
0x63: {  	_ =	shalt  }
0x64: {  	_ =	shalt  }
0x65: {  	_ =	shalt  }
0x66: {  	_ =	shalt  }
0x67: {  	_ =	shalt  }
0x68: {  	_ =	shalt  }
0x69: {  	_ =	shalt  }
0x6a: {  	_ =	shalt  }
0x6b: {  	_ =	shalt  }
0x6c: {  	_ =	shalt  }
0x6d: {  	_ =	shalt  }
0x6e: {  	_ =	shalt  }
0x6f: {  	_ =	shalt  }
0x70: {  	_ =	shalt  }
0x71: {  	_ =	shalt  }
0x72: {  	_ =	shalt  }
0x73: {  	_ =	shalt  }
0x74: {  	_ =	shalt  }
0x75: {  	_ =	shalt  }
0x76: {  	_ =	shalt  }
0x77: {  	_ =	shalt  }
0x78: {  	_ =	shalt  }
0x79: {  	_ =	shalt  }
0x7a: {  	_ =	shalt  }
0x7b: {  	_ =	shalt  }
0x7c: {  	_ =	shalt  }
0x7d: {  	_ =	shalt  }
0x7e: {  	_ =	shalt  }
0x7f: {  	_ =	shalt  }
0x80: {  	_ =	shalt  }
0x81: {  	_ =	shalt  }
0x82: {  	_ =	shalt  }
0x83: {  	_ =	shalt  }
0x84: {  	_ =	shalt  }
0x85: {  	_ =	shalt  }
0x86: {  	_ =	shalt  }
0x87: {  	_ =	shalt  }
.Lfunc_end0:
.L_simem_size_0:
called_computation_lowered:
.L_overlay_start_0:
0x88: {  	s2 =	sld [smem:$0x3FD9]  }
0x89: {  	s3 =	sld [smem:$0x3FFE];
	_ =	sdelay $0x1  }
0x8a: {  	s1 =	srdreg.scid  }
0x8b: {  	s0 =	sand.u32 $0x1, s1  }
0x8c: {  	s17 =	sshll.u32 s0, $0xA;
	s2 =	sadd.s32 s3, s2  }
0x8d: {  	s2 =	sadd.s32 s2, s17  }
0x8e: {  	[smem:$0x3FB9] =	sst s2  }
0x8f: {  	_ = 	snop  }
0x90: {  	s2 =	sld [smem:$0x3FC7];
	(tm) =	ssettm $0x1  }
0x91: {  	s18 =	sld [smem:$0x3FFB];
	_ =	sdelay $0x3  }
0x92: {  	_ =	strace s18  }
0x93: {  	s3 =	sld [smem:$0x3FFC];
	_ =	sdelay $0x3  }
0x94: {  	_ =	strace s3  }
0x95: {  	s3 =	sld [smem:$0x3FFD];
	_ =	sdelay $0x3  }
0x96: {  	_ =	strace s3  }
0x97: {  	_ =	strace $0x8FFFFFFF  }
0x98: {  	s19 =	sld [smem:$0x3FDB];
	_ =	sdelay $0x1  }
0x99: {  	s4 =	simm.s32 $_scs_section_size  }
0x9a: {  	s5 =	simm.s32 $_size__tile_overlayer_lowered;
	s6 =	simm.s32 $_tile_overlayer_lowered  }
0x9b: {  	s22 =	simm.s32 $0x1BFF;
	s21 =	sshll.u32 s6, $0x1;
	s3 =	sadd.s32 s4, s19  }
0x9c: {  	s7 =	simm.s32 $0x0;
	s20 =	sshll.u32 s5, $0x1;
	s5 =	sadd.s32 s21, s3  }
0x9d: {  	[timem:s7], [sflag:s22] =	dma.local [hbm:s5], s20  }
0x9e: {  	_ =	swait.ge [sflag:s22], s20  }
0x9f: {  	s4 =	ssub.s32 $0x0, s20;
	[sflag:s22] =	ssyncset.done $0x0  }
0xa0: {  	[sflag:s22] =	ssyncadd.s32 s4;
	_ =	sdelay $0x1  }
0xa1: {  	s23 =	simm.s32 $0x1B8B  }
0xa2: {  	_ =	swait.ge [sflag:s23], $0x1  }
0xa3: {  	[sflag:s23] =	ssyncset.done $0x0  }
0xa4: {  	s25 =	simm.s32 $0x1B8E;
	s24 =	sld [smem:$0x3FFE];
	[sflag:s23] =	ssyncadd.s32 $0xFFFFFFFF  }
0xa5: {  	s26 =	simm.s32 $execute0_lowered;
	[smem:$0x3FD2] =	sst s25  }
0xa6: {  	s5 =	sshll.u32 s26, $0x1;
	_ =	strace $0x80000046;
	[dreg:$0x1] =	wrdreg $0xFFFFFFFF  }
0xa7: {  	s28 =	simm.s32 $_size_execute0_lowered;
	s3 =	sadd.s32 s3, s5;
	[dreg:$0x0] =	wrdreg $0x0  }
0xa8: {  	s5 =	sshll.u32 s28, $0x1;
	[dreg:$0x2] =	wrdreg s3  }
0xa9: {  	[dreg:$0x3] =	wrdreg s5  }
0xaa: {  	[dreg:$0x4] =	wrdreg $0xC0  }
0xab: {  	_ =	task [dreg:s7], $0x5FFFF  }
0xac: {  	[dreg:$0x1] =	wrdreg $0xFFFFFFFF  }
0xad: {  	[dreg:$0x0] =	wrdreg $0x60  }
0xae: {  	[dreg:$0x2] =	wrdreg s2  }
0xaf: {  	[dreg:$0x3] =	wrdreg s24  }
0xb0: {  	[dreg:$0x4] =	wrdreg $0x9  }
0xb1: {  	_ =	task.clear_ibuf [dreg:s7], $0x5FFFF;
	_ =	strace $0x90000046  }
0xb2: {  	s29 =	simm.s32 $0x9;
	_ =	strace $0x80000048  }
0xb3: {  	_ =	swait.ge [sflag:s29], $0x1  }
0xb4: {  	[sflag:s29] =	ssyncadd.s32 $0xFFFFFFFF  }
0xb5: {  	_ =	strace $0x90000048  }
0xb6: {  	_ =	sfence  }
0xb7: {  	s30 =	sld [smem:$0x0];
	_ =	sdelay $0x2  }
0xb8: {  	s31 =	sshll.u32 s1, $0xD;
	s1 =	sshrl.u32 s1, $0x2  }
0xb9: {  	s3 =	sand.u32 $0x4000, s31;
	s1 =	sadd.s32 s1, s30  }
0xba: {  	s0 =	sor.u32 s3, s0;
	s1 =	sshll.u32 s1, $0x11  }
0xbb: {  	s0 =	sor.u32 s1, s0  }
0xbc: {  	s0 =	sadd.s32 $0x8F2B, s0  }
0xbd: {  	[sflag:s0] =	ssyncadd.remote.s32 $0x1  }
0xbe: {  	_ =	sfence.sel $0xFFFF  }
0xbf: {  	[dreg:$0x0] =	wrdreg $0xFFFFFFFF;
	(pc) =	sbr.abs _section_cstart, $3  }
0xc0: {  	[dreg:$0x1] =	wrdreg $0xFFFFFFFF  }
0xc1: {  	_ =	task.clear_ibuf [dreg:s7], $0x2FFFF;
	_ =	strace $0x9FFFFFFF  }
0xc2: {  	(tm) =	ssettm $0x7FFFFFFF  }
0xc3: {  	_ =	shalt  }
tec
execute0_lowered:
.L_overlay_start_1:
0x0: {  	(tag) =	ssettag $0x1  }
0x1: {  	s1 =	srdreg.scid;
	s0 =	stileid.u32  }
0x2: {  	s2 =	rddreg [dreg:$0x0];
	s10 =	sand.u32 $0x1, s1;
	s29 =	sshll.u32 s0, $0x1  }
0x3: {  	s11 =	rddreg [dreg:$0x1];
	s12 =	sor.u32 s10, s29  }
0x4: {  	s3 =	simm.s32 $0x0;
	s1 =	rddreg [dreg:$0x2];
	s4 =	sshll.u32 s12, $0x5  }
0x5: {  	[smem:$0x7FF] =	sst s3;
	s4 =	sadd.s32 s4, s11  }
0x6: {  	_ =	strace $0x80000047;
	s5 =	sadd.s32 $0x2000, s4;
	s4 =	simm.s32 $0x2  }
0x7: {  	[tilespmem:s3], [sflag:$0x2] =	stream.linear.gather [hbm4b:s5+s3], $0x100, $0x38;
	[tilespmem:$0x8100] =	vst v63  }
0x8: {  	_ =	swait.ge [sflag:s4], $0x100  }
0x9: {  	[sflag:s4] =	ssyncset.done $0x0  }
0xa: {  	s6 =	simm.s32 $0x80;
	s7 =	simm.s32 $0x100;
	[sflag:s4] =	ssyncadd.s32 $0xFFFFFF00  }
0xb: {  	[tilespmem:s7], [sflag:$0x1] =	stream.indirect.gather [hbm4b:s2+s6], $0x80, s3, s6, $0xb8;
	[tilespmem:$0x8100] =	vst v63  }
0xc: {  	s8 =	simm.s32 $0x4100;
	s9 =	simm.s32 $0x1;
	s10 =	ssub.s32 $0x2, s10  }
0xd: {  	[tilespmem:s8], [sflag:$0x1] =	stream.indirect.gather [hbm4b:s2+s6], $0x80, s6, s6, $0xb8;
	[tilespmem:$0x8100] =	vst v63  }
0xe: {  	s13 =	sshrl.u32 s10, $0x1;
	_ =	swait.ge [sflag:s9], $0x4000  }
0xf: {  	s30 =	ssub.s32 s10, s13;
	[sflag:s9] =	ssyncset.done $0x0  }
0x10: {  	s31 =	smax.u32 s30, $0x1;
	[sflag:s9] =	ssyncadd.s32 $0xFFFFC000  }
0x11: {  	s12 =	sshll.u32 s12, $0xC;
	p0 =	sne.s32 s31, $0x1;
	_ =	swait.ge [sflag:s9], $0x4000  }
.Ltmp0:
0x12: {  	s11 =	sadd.s32 s12, s11;
	[sflag:s9] =	ssyncset.done $0x0;
	(pc) =	sbr.rel @!p0 .LBB2_2-.Ltmp0, $4  }
0x13: {  	s10 =	sadd.s32 $0x2400, s11;
	[sflag:s9] =	ssyncadd.s32 $0xFFFFC000  }
0x14: {  	[hbm4b:s10+s3] =	stream.linear.scatter [tilespmem:s7], [sflag:$0x2], $0x8000, $0x38;
	[tilespmem:$0x8100] =	vst v63  }
0x15: {  	_ =	swait.ge [sflag:s4], $0x8000  }
0x16: {  	s11 =	sadd.s32 $0xFFFFFFFF, s31;
	[sflag:s4] =	ssyncset.done $0x0  }
.LBB2_1:
0x17: {  	p0 =	sne.s32 s11, $0x1;
	s11 =	sadd.s32 $0xFFFFFFFF, s11;
	[sflag:s4] =	ssyncadd.s32 $0xFFFF8000  }
0x18: {  	[tilespmem:s3], [sflag:$0x2] =	stream.linear.gather [hbm4b:s5+s3], $0x100, $0x38;
	[tilespmem:$0x8100] =	vst v63  }
0x19: {  	_ =	swait.ge [sflag:s4], $0x100  }
0x1a: {  	[sflag:s4] =	ssyncset.done $0x0  }
0x1b: {  	[sflag:s4] =	ssyncadd.s32 $0xFFFFFF00  }
0x1c: {  	[tilespmem:s7], [sflag:$0x1] =	stream.indirect.gather [hbm4b:s2+s6], $0x80, s3, s6, $0xb8;
	[tilespmem:$0x8100] =	vst v63  }
0x1d: {  	_ = 	snop  }
0x1e: {  	[tilespmem:s8], [sflag:$0x1] =	stream.indirect.gather [hbm4b:s2+s6], $0x80, s6, s6, $0xb8;
	[tilespmem:$0x8100] =	vst v63  }
0x1f: {  	_ =	swait.ge [sflag:s9], $0x4000  }
0x20: {  	[sflag:s9] =	ssyncset.done $0x0  }
0x21: {  	[sflag:s9] =	ssyncadd.s32 $0xFFFFC000  }
0x22: {  	_ =	swait.ge [sflag:s9], $0x4000  }
.Ltmp1:
0x23: {  	[sflag:s9] =	ssyncset.done $0x0;
	(pc) =	sbr.rel @p0 .LBB2_1-.Ltmp1, $4  }
0x24: {  	[sflag:s9] =	ssyncadd.s32 $0xFFFFC000  }
0x25: {  	[hbm4b:s10+s3] =	stream.linear.scatter [tilespmem:s7], [sflag:$0x2], $0x8000, $0x38;
	[tilespmem:$0x8100] =	vst v63  }
0x26: {  	_ =	swait.ge [sflag:s4], $0x8000  }
0x27: {  	[sflag:s4] =	ssyncset.done $0x0  }
.LBB2_2:
0x28: {  	[sflag:s4] =	ssyncadd.s32 $0xFFFF8000  }
0x29: {  	_ =	sfence.sel $0x180000  }
0x2a: {  	[bflag:$0x0] =	sbarrier.arrive $0xFFFF  }
0x2b: {  	p0 =	sne.s32 s0, $0x0;
	_ =	strace $0x90000047  }
0x2c: {  	s0 =	sadd.s32 @!p0 $0x100000, s1;
	[bflag:$0x2] =	sbarrier.arrive $0xFFFF  }
0x2d: {  	[sflag:s0] =	ssyncadd.tile.s32 @!p0 $0x1;
	_ =	shalt  }
.Lfunc_end2:
_tile_overlayer_lowered:
.L_overlay_start_2:
0x2e: {  	(tag) =	ssettag $0x2  }
0x2f: {  	s0 =	rddreg [dreg:$0x0];
	s2 =	stileid.u32  }
0x30: {  	s1 =	rddreg [dreg:$0x1];
	p0 =	sne.s32 s2, $0x0  }
0x31: {  	s3 =	rddreg [dreg:$0x2];
	[bflag:$0x3] =	sbarrier.arrive $0xFFFF;
	s2 =	simm.s32 @!p0 $0x1C02  }
0x32: {  	[timem:s3], [sflag:s2] =	dma.local @!p0 [hbm:s0], s1  }
0x33: {  	s0 =	simm.s32 @!p0 $0x2  }
0x34: {  	_ =	swait.ge @!p0 [sflag:s0], s1  }
0x35: {  	s1 =	ssub.s32 @!p0 $0x0, s1;
	[sflag:s0] =	ssyncset.done @!p0 $0x0  }
0x36: {  	[sflag:s0] =	ssyncadd.s32 @!p0 s1  }
0x37: {  	[bflag:$0x3] =	sbarrier.arrive $0xFFFF  }
0x38: {  	_ =	shalt  }

</sc_bundles>
